<compile_context>
chip_gen: v7x
topology: tpu7x:2x2x1
jax: 0.10.2.dev20260603
libtpu: 0.0.44.dev20260713+nightly
codegen_flags: <defaults>
</compile_context>

<pallas_src>
import functools

import jax
import jax.numpy as jnp
from jax import lax
from jax.experimental import pallas as pl
from jax.experimental.pallas import tpu as pltpu
from jax.experimental.pallas import tpu_sc as plsc

_B = 128
_N = 4096
_K = 8
_NBLK = 8
_BO = _N // _NBLK

_L = 16
_NCHUNK = _N // _L
_NC = 2
_NS = 16
_NW = _NC * _NS
_RPW = _B // _NW

_NEG = float("-inf")
_POS = float("inf")


def _mm_body(field_ref, w_ref, b_ref, out_ref):
    blk = lax.dot_general(
        field_ref[...], w_ref[...], (((1,), (1,)), ((), ())),
        preferred_element_type=jnp.float32,
    )
    out_ref[...] = blk + b_ref[...].reshape(1, _BO)


def _scores(field, W, b):
    return pl.pallas_call(
        _mm_body,
        grid=(_NBLK,),
        in_specs=[
            pl.BlockSpec((_B, _N), lambda i: (0, 0)),
            pl.BlockSpec((_BO, _N), lambda i: (i, 0)),
            pl.BlockSpec((_BO,), lambda i: (i,)),
        ],
        out_specs=pl.BlockSpec((_B, _BO), lambda i: (0, i)),
        out_shape=jax.ShapeDtypeStruct((_B, _N), jnp.float32),
        compiler_params=pltpu.CompilerParams(
            dimension_semantics=("arbitrary",),
        ),
    )(field, W, b)


def _sc_topk(scores_flat, field_flat):
    mesh = plsc.VectorSubcoreMesh(core_axis_name="c", subcore_axis_name="s")

    @functools.partial(
        pl.kernel,
        mesh=mesh,
        out_type=jax.ShapeDtypeStruct((_B * _K,), jnp.float32),
        compiler_params=pltpu.CompilerParams(needs_layout_passes=False),
        scratch_types=[
            pltpu.VMEM((_N,), jnp.float32),
            pltpu.VMEM((_N,), jnp.float32),
            pltpu.VMEM((_N + _L,), jnp.int32),
            pltpu.VMEM((_RPW * _L,), jnp.int32),
            pltpu.VMEM((_RPW * _L,), jnp.float32),
            pltpu.SemaphoreType.DMA,
            pltpu.SemaphoreType.DMA,
            pltpu.SemaphoreType.DMA,
        ],
    )
    def body(
        scores_hbm, field_hbm, out_hbm, row_a, row_b, cand_i, idx_v, val_v,
        sem_a, sem_b, sem_g,
    ):
        wid = lax.axis_index("s") * _NC + lax.axis_index("c")
        lane = lax.broadcasted_iota(jnp.int32, (_L,), 0)
        bufs = (row_a, row_b)
        sems = (sem_a, sem_b)
        row0 = wid * _RPW
        pending = {
            0: pltpu.async_copy(scores_hbm.at[pl.ds(row0 * _N, _N)], row_a, sem_a)
        }
        for r in range(_RPW):
            row = row0 + r
            row_v = bufs[r % 2]
            pending.pop(r).wait()
            if r + 1 < _RPW:
                pending[r + 1] = pltpu.async_copy(
                    scores_hbm.at[pl.ds((row + 1) * _N, _N)],
                    bufs[(r + 1) % 2],
                    sems[(r + 1) % 2],
                )

            def p1(c, m):
                return jnp.maximum(m, row_v[pl.ds(c * _L, _L)])

            mx = lax.fori_loop(0, _NCHUNK, p1, jnp.full((_L,), _NEG, jnp.float32))

            ms, _ = plsc.sort_key_val(mx, lane)
            thr = ms[_K]
            thr_b = jnp.full((_L,), thr, jnp.float32)

            def p3(c, off):
                v = row_v[pl.ds(c * _L, _L)]
                msk = v >= thr_b
                plsc.store_compressed(
                    cand_i.at[pl.ds(off, _L)], lane + c * _L, mask=msk
                )
                cnt = plsc.all_reduce_population_count(msk)
                return off + cnt[0]

            ncand = lax.fori_loop(0, _NCHUNK, p3, jnp.int32(0))

            def p4(j, carry):
                tv, ti = carry
                base = j * _L
                ci = cand_i[pl.ds(base, _L)]
                valid = (lane + base) < ncand
                ci = jnp.where(valid, ci, 0)
                (cv,) = (plsc.load_gather(row_v, [ci]),)
                cv = jnp.where(valid, cv, _NEG)
                v_d, i_d = plsc.sort_key_val(cv, ci, descending=True)
                take = tv >= v_d
                mv = jnp.maximum(tv, v_d)
                mi = jnp.where(take, ti, i_d)
                return tuple(plsc.sort_key_val(mv, mi))

            nchunk = (ncand + _L - 1) // _L
            init = (
                jnp.full((_L,), _NEG, jnp.float32),
                jnp.zeros((_L,), jnp.int32),
            )
            _, top_i = lax.fori_loop(0, nchunk, p4, init)
            idx_v[pl.ds(r * _L, _L)] = lax.rev(top_i, (0,)) + row * _N
        pltpu.async_copy(field_hbm.at[idx_v], val_v, sem_g).wait()
        for r in range(_RPW):
            row = row0 + r
            pltpu.sync_copy(
                val_v.at[pl.ds(r * _L, _K)], out_hbm.at[pl.ds(row * _K, _K)]
            )

    return body(scores_flat, field_flat)


def kernel(field, W, b, training):
    del training
    scores = _scores(field, W, b)
    out = _sc_topk(scores.reshape(-1), field.reshape(-1))
    return out.reshape(_B, _K)

# --- scband reference (transcript-rebuilt; emitter-appended) ---
"""Pipeline reference for scband-peak-detector-10496900071801 (READ-ONLY COPY).

The authoritative reference and input builder live on the scoring server;
editing this copy changes nothing except your own understanding.
"""

import jax, jax.numpy as jnp
import numpy as np

NOISE_DIM = 4096
BATCH = 128
NUM_PEAKS = 10
EXPLORATION_RATE = 0.2


def setup_inputs(seed: int = 0) -> dict:
    key = jax.random.key(seed)
    k1, k2, k3 = jax.random.split(key, 3)
    field = jax.random.normal(k1, (BATCH, NOISE_DIM), dtype=jnp.float32)
    # nn.Linear(noise_dim, noise_dim): weight [out, in], bias [out]
    W = jax.random.normal(k2, (NOISE_DIM, NOISE_DIM), dtype=jnp.float32) * 0.02
    b = jax.random.normal(k3, (NOISE_DIM,), dtype=jnp.float32) * 0.02
    # training=0 -> deterministic path (no random exploration indices)
    return {"field": field, "W": W, "b": b, "training": 0}


def reference(field, W, b, training):
    # scores = self.selector(field)
    scores = field @ W.T + b
    num_exploit = int(NUM_PEAKS * (1 - EXPLORATION_RATE))  # 8
    # torch.topk per batch row == vectorized lax.top_k along last axis
    _, peak_idx = jax.lax.top_k(scores, num_exploit)
    # field[b, peak_idx] stacked over batch == take_along_axis
    selected = jnp.take_along_axis(field, peak_idx, axis=1)
    return selected

if __name__ == "__main__":
    import jax
    _d = setup_inputs()
    print(jax.jit(kernel)(*tuple(_d.values())))

</pallas_src>

<mosaic_0001>
#map = affine_map<(d0, d1) -> (0)>
module attributes {stable_mosaic.version = 14 : i64} {
  func.func @body(%arg0: i32, %arg1: i32, %arg2: memref<524288xf32, #tpu.memory_space<hbm>>, %arg3: memref<524288xf32, #tpu.memory_space<hbm>>, %arg4: memref<1024xf32, #tpu.memory_space<hbm>>, %arg5: memref<4096xf32, #tpu.memory_space<vmem>>, %arg6: memref<4096xf32, #tpu.memory_space<vmem>>, %arg7: memref<4112xi32, #tpu.memory_space<vmem>>, %arg8: memref<64xi32, #tpu.memory_space<vmem>>, %arg9: memref<64xf32, #tpu.memory_space<vmem>>, %arg10: memref<!tpu.dma_semaphore, #tpu.memory_space<semaphore_mem>>, %arg11: memref<!tpu.dma_semaphore, #tpu.memory_space<semaphore_mem>>, %arg12: memref<!tpu.dma_semaphore, #tpu.memory_space<semaphore_mem>>) attributes {dimension_semantics = [#tpu.dimension_semantics<core_parallel>, #tpu.dimension_semantics<subcore_parallel>], iteration_bounds = array<i64: 2, 16>, scalar_prefetch = 0 : i64, scratch_operands = 8 : i64, tpu.core_type = #tpu.core_type<sc_vector_subcore>, window_params = [{transform_indices = #map}, {transform_indices = #map}, {transform_indices = #map}]} {
    %mul3A = arith.constant 2 : i32
    %mul3A_0 = arith.muli %arg1, %mul3A : i32
    %add3A = arith.addi %mul3A_0, %arg0 : i32
    %iota3A = tpu.iota {dimensions = array<i32: 0>} : vector<16xi32>
    %mul3A_1 = arith.constant 4 : i32
    %mul3A_2 = arith.muli %add3A, %mul3A_1 : i32
    %mul3A_3 = arith.constant 4096 : i32
    %mul3A_4 = arith.muli %mul3A_2, %mul3A_3 : i32
    %dma_start3A = tpu.memref_slice %arg2[%mul3A_4] : memref<524288xf32, #tpu.memory_space<hbm>> -> memref<4096xf32, #tpu.memory_space<hbm>>
    %dma_start3A_5 = tpu.memref_slice %arg2[%mul3A_4] : memref<524288xf32, #tpu.memory_space<hbm>> -> memref<4096xf32, #tpu.memory_space<hbm>>
    tpu.enqueue_dma source(%dma_start3A_5 : memref<4096xf32, #tpu.memory_space<hbm>>) target(%arg5 : memref<4096xf32, #tpu.memory_space<vmem>>) target_semaphore(%arg10 : memref<!tpu.dma_semaphore, #tpu.memory_space<semaphore_mem>>)
    %add3A_6 = arith.constant 0 : i32
    %add3A_7 = arith.addi %mul3A_2, %add3A_6 : i32
    %dma_wait3A = tpu.memref_slice %arg2[%mul3A_4] : memref<524288xf32, #tpu.memory_space<hbm>> -> memref<4096xf32, #tpu.memory_space<hbm>>
    %dma_wait3A_8 = tpu.memref_slice %arg2[%mul3A_4] : memref<524288xf32, #tpu.memory_space<hbm>> -> memref<4096xf32, #tpu.memory_space<hbm>>
    tpu.wait_dma2 semaphore(%arg10 : memref<!tpu.dma_semaphore, #tpu.memory_space<semaphore_mem>>) src(%dma_wait3A_8 : memref<4096xf32, #tpu.memory_space<hbm>>) dst(%arg5 : memref<4096xf32, #tpu.memory_space<vmem>>)
    %add3A_9 = arith.constant 1 : i32
    %add3A_10 = arith.addi %add3A_7, %add3A_9 : i32
    %mul3A_11 = arith.constant 4096 : i32
    %mul3A_12 = arith.muli %add3A_10, %mul3A_11 : i32
    %dma_start3A_13 = tpu.memref_slice %arg2[%mul3A_12] : memref<524288xf32, #tpu.memory_space<hbm>> -> memref<4096xf32, #tpu.memory_space<hbm>>
    %dma_start3A_14 = tpu.memref_slice %arg2[%mul3A_12] : memref<524288xf32, #tpu.memory_space<hbm>> -> memref<4096xf32, #tpu.memory_space<hbm>>
    tpu.enqueue_dma source(%dma_start3A_14 : memref<4096xf32, #tpu.memory_space<hbm>>) target(%arg6 : memref<4096xf32, #tpu.memory_space<vmem>>) target_semaphore(%arg11 : memref<!tpu.dma_semaphore, #tpu.memory_space<semaphore_mem>>)
    %broadcast_in_dim3A = arith.constant 0xFF800000 : f32
    %broadcast_in_dim3A_15 = vector.broadcast %broadcast_in_dim3A : f32 to vector<16xf32>
    %scan3A = arith.constant 0 : i32
    %scan3A_16 = arith.constant 256 : i32
    %scan3A_17 = arith.addi %scan3A, %scan3A_16 : i32
    %scan3A_18 = arith.constant 1 : i32
    %scan3A_19 = scf.for %scan3A_347 = %scan3A to %scan3A_17 step %scan3A_18 iter_args(%scan3A_348 = %broadcast_in_dim3A_15) -> (vector<16xf32>)  : i32 {
      %mul3A_349 = arith.constant 16 : i32
      %mul3A_350 = arith.muli %scan3A_347, %mul3A_349 : i32
      %get3A = arith.index_cast %mul3A_350 : i32 to index
      %get3A_351 = tpu.vector_load %arg5[%get3A] {strides = array<i32>} : memref<4096xf32, #tpu.memory_space<vmem>>, vector<16xf32>,
      %max3A = arith.maximumf %scan3A_348, %get3A_351 : vector<16xf32>
      scf.yield %max3A : vector<16xf32>
    }
    %scan3A_20 = arith.constant 256 : i32
    %masked_sort3A = arith.constant dense<true> : vector<16xi1>
    %masked_sort3A_21, %masked_sort3A_22, %masked_sort3A_23 = tpu.sort %scan3A_19, %iota3A masked %masked_sort3A : (vector<16xf32>, vector<16xi32>, vector<16xi1>) -> (vector<16xi1>, vector<16xf32>, vector<16xi32>)
    %slice3A = vector.extract_strided_slice %masked_sort3A_22 {offsets = [8], sizes = [1], strides = [1]} : vector<16xf32> to vector<1xf32>
    %squeeze3A = vector.extract %slice3A[0] : f32 from vector<1xf32>
    %broadcast_in_dim3A_24 = vector.broadcast %squeeze3A : f32 to vector<16xf32>
    %scan3A_25 = arith.constant 0 : i32
    %scan3A_26 = arith.constant 0 : i32
    %scan3A_27 = arith.constant 256 : i32
    %scan3A_28 = arith.addi %scan3A_26, %scan3A_27 : i32
    %scan3A_29 = arith.constant 1 : i32
    %scan3A_30 = scf.for %scan3A_347 = %scan3A_26 to %scan3A_28 step %scan3A_29 iter_args(%scan3A_348 = %scan3A_25) -> (i32)  : i32 {
      %mul3A_349 = arith.constant 16 : i32
      %mul3A_350 = arith.muli %scan3A_347, %mul3A_349 : i32
      %get3A = arith.index_cast %mul3A_350 : i32 to index
      %get3A_351 = tpu.vector_load %arg5[%get3A] {strides = array<i32>} : memref<4096xf32, #tpu.memory_space<vmem>>, vector<16xf32>,
      %ge3A = arith.cmpf oge, %get3A_351, %broadcast_in_dim3A_24 : vector<16xf32>
      %mul3A_352 = arith.constant 16 : i32
      %mul3A_353 = arith.muli %scan3A_347, %mul3A_352 : i32
      %add3A_354 = vector.broadcast %mul3A_353 : i32 to vector<16xi32>
      %add3A_355 = arith.addi %iota3A, %add3A_354 : vector<16xi32>
      %swap3A_356 = arith.index_cast %scan3A_348 : i32 to index
      %swap3A_357 = tpu.vector_load %arg7[%swap3A_356] masked %ge3A {strides = array<i32>} : memref<4112xi32, #tpu.memory_space<vmem>>, vector<16xi32>, vector<16xi1>
      tpu.vector_store %arg7[%swap3A_356], %add3A_355 masked %ge3A {strides = array<i32>} : memref<4112xi32, #tpu.memory_space<vmem>>, vector<16xi32>, vector<16xi1>
      %all_reduce_population_count3A = tpu.all_reduce %ge3A {dim = 0 : i64, kind = #tpu.reduction_kind<sum>} : vector<16xi1> -> vector<16xi32>
      %slice3A_358 = vector.extract_strided_slice %all_reduce_population_count3A {offsets = [0], sizes = [1], strides = [1]} : vector<16xi32> to vector<1xi32>
      %squeeze3A_359 = vector.extract %slice3A_358[0] : i32 from vector<1xi32>
      %add3A_360 = arith.addi %scan3A_348, %squeeze3A_359 : i32
      scf.yield %add3A_360 : i32
    }
    %scan3A_31 = arith.constant 256 : i32
    %add3A_32 = arith.constant 16 : i32
    %add3A_33 = arith.addi %scan3A_30, %add3A_32 : i32
    %sub3A = arith.constant 1 : i32
    %sub3A_34 = arith.subi %add3A_33, %sub3A : i32
    %jit3A = arith.constant 16 : i32
    %div3A = arith.divsi %sub3A_34, %jit3A : i32
    %sign3A = arith.constant 0 : i32
    %sign3A_35 = arith.cmpi sgt, %sub3A_34, %sign3A : i32
    %sign3A_36 = arith.extui %sign3A_35 : i1 to i32
    %sign3A_37 = arith.constant 0 : i32
    %sign3A_38 = arith.cmpi slt, %sub3A_34, %sign3A_37 : i32
    %sign3A_39 = arith.extui %sign3A_38 : i1 to i32
    %sign3A_40 = arith.subi %sign3A_36, %sign3A_39 : i32
    %sign3A_41 = arith.constant 0 : i32
    %sign3A_42 = arith.cmpi sgt, %jit3A, %sign3A_41 : i32
    %sign3A_43 = arith.extui %sign3A_42 : i1 to i32
    %sign3A_44 = arith.constant 0 : i32
    %sign3A_45 = arith.cmpi slt, %jit3A, %sign3A_44 : i32
    %sign3A_46 = arith.extui %sign3A_45 : i1 to i32
    %sign3A_47 = arith.subi %sign3A_43, %sign3A_46 : i32
    %ne3A = arith.cmpi ne, %sign3A_40, %sign3A_47 : i32
    %rem3A = arith.remsi %sub3A_34, %jit3A : i32
    %ne3A_48 = arith.constant 0 : i32
    %ne3A_49 = arith.cmpi ne, %rem3A, %ne3A_48 : i32
    %and3A = arith.andi %ne3A, %ne3A_49 : i1
    %sub3A_50 = arith.constant 1 : i32
    %sub3A_51 = arith.subi %div3A, %sub3A_50 : i32
    %select_n3A = arith.select %and3A, %sub3A_51, %div3A : i32
    %broadcast_in_dim3A_52 = arith.constant 0xFF800000 : f32
    %broadcast_in_dim3A_53 = vector.broadcast %broadcast_in_dim3A_52 : f32 to vector<16xf32>
    %broadcast_in_dim3A_54 = arith.constant 0 : i32
    %broadcast_in_dim3A_55 = vector.broadcast %broadcast_in_dim3A_54 : i32 to vector<16xi32>
    %while3A = arith.constant 0 : i32
    %while3A_56 = arith.subi %select_n3A, %while3A : i32
    %while3A_57 = arith.addi %while3A, %while3A_56 : i32
    %while3A_58 = arith.constant 1 : i32
    %while3A_59 = arith.divsi %while3A_56, %while3A_58 : i32
    %while3A_60 = arith.muli %while3A_59, %while3A_58 : i32
    %while3A_61 = arith.addi %while3A, %while3A_60 : i32
    %while3A_62 = arith.constant 1 : i32
    %while3A_63:2 = scf.for %while3A_347 = %while3A to %while3A_61 step %while3A_62 iter_args(%while3A_348 = %broadcast_in_dim3A_53, %while3A_349 = %broadcast_in_dim3A_55) -> (vector<16xf32>, vector<16xi32>)  : i32 {
      %mul3A_350 = arith.constant 16 : i32
      %mul3A_351 = arith.muli %while3A_347, %mul3A_350 : i32
      %get3A = arith.index_cast %mul3A_351 : i32 to index
      %get3A_352 = tpu.vector_load %arg7[%get3A] {strides = array<i32>} : memref<4112xi32, #tpu.memory_space<vmem>>, vector<16xi32>,
      %add3A_353 = vector.broadcast %mul3A_351 : i32 to vector<16xi32>
      %add3A_354 = arith.addi %iota3A, %add3A_353 : vector<16xi32>
      %lt3A = vector.broadcast %scan3A_30 : i32 to vector<16xi32>
      %lt3A_355 = arith.cmpi slt, %add3A_354, %lt3A : vector<16xi32>
      %jit3A_356 = arith.constant 0 : i32
      %broadcast_in_dim3A_357 = vector.broadcast %jit3A_356 : i32 to vector<16xi32>
      %select_n3A_358 = arith.select %lt3A_355, %get3A_352, %broadcast_in_dim3A_357 : vector<16xi1>, vector<16xi32>
      %gather3A = tpu.vector_load_idx %arg5[%select_n3A_358] : memref<4096xf32, #tpu.memory_space<vmem>>[vector<16xi32>], vector<16xf32>,
      %jit3A_359 = arith.constant 0xFF800000 : f32
      %broadcast_in_dim3A_360 = vector.broadcast %jit3A_359 : f32 to vector<16xf32>
      %select_n3A_361 = arith.select %lt3A_355, %gather3A, %broadcast_in_dim3A_360 : vector<16xi1>, vector<16xf32>
      %masked_sort3A_362 = arith.constant dense<true> : vector<16xi1>
      %masked_sort3A_363, %masked_sort3A_364, %masked_sort3A_365 = tpu.sort %select_n3A_361, %select_n3A_358 masked %masked_sort3A_362 {descending = true} : (vector<16xf32>, vector<16xi32>, vector<16xi1>) -> (vector<16xi1>, vector<16xf32>, vector<16xi32>)
      %ge3A = arith.cmpf oge, %while3A_348, %masked_sort3A_364 : vector<16xf32>
      %max3A = arith.maximumf %while3A_348, %masked_sort3A_364 : vector<16xf32>
      %select_n3A_366 = arith.select %ge3A, %while3A_349, %masked_sort3A_365 : vector<16xi1>, vector<16xi32>
      %masked_sort3A_367 = arith.constant dense<true> : vector<16xi1>
      %masked_sort3A_368, %masked_sort3A_369, %masked_sort3A_370 = tpu.sort %max3A, %select_n3A_366 masked %masked_sort3A_367 : (vector<16xf32>, vector<16xi32>, vector<16xi1>) -> (vector<16xi1>, vector<16xf32>, vector<16xi32>)
      scf.yield %masked_sort3A_369, %masked_sort3A_370 : vector<16xf32>, vector<16xi32>
    }
    %while3A_64 = arith.constant 1 : i32
    %while3A_65:2 = scf.for %while3A_347 = %while3A_61 to %while3A_57 step %while3A_64 iter_args(%while3A_348 = %while3A_63#0, %while3A_349 = %while3A_63#1) -> (vector<16xf32>, vector<16xi32>)  : i32 {
      %mul3A_350 = arith.constant 16 : i32
      %mul3A_351 = arith.muli %while3A_347, %mul3A_350 : i32
      %get3A = arith.index_cast %mul3A_351 : i32 to index
      %get3A_352 = tpu.vector_load %arg7[%get3A] {strides = array<i32>} : memref<4112xi32, #tpu.memory_space<vmem>>, vector<16xi32>,
      %add3A_353 = vector.broadcast %mul3A_351 : i32 to vector<16xi32>
      %add3A_354 = arith.addi %iota3A, %add3A_353 : vector<16xi32>
      %lt3A = vector.broadcast %scan3A_30 : i32 to vector<16xi32>
      %lt3A_355 = arith.cmpi slt, %add3A_354, %lt3A : vector<16xi32>
      %jit3A_356 = arith.constant 0 : i32
      %broadcast_in_dim3A_357 = vector.broadcast %jit3A_356 : i32 to vector<16xi32>
      %select_n3A_358 = arith.select %lt3A_355, %get3A_352, %broadcast_in_dim3A_357 : vector<16xi1>, vector<16xi32>
      %gather3A = tpu.vector_load_idx %arg5[%select_n3A_358] : memref<4096xf32, #tpu.memory_space<vmem>>[vector<16xi32>], vector<16xf32>,
      %jit3A_359 = arith.constant 0xFF800000 : f32
      %broadcast_in_dim3A_360 = vector.broadcast %jit3A_359 : f32 to vector<16xf32>
      %select_n3A_361 = arith.select %lt3A_355, %gather3A, %broadcast_in_dim3A_360 : vector<16xi1>, vector<16xf32>
      %masked_sort3A_362 = arith.constant dense<true> : vector<16xi1>
      %masked_sort3A_363, %masked_sort3A_364, %masked_sort3A_365 = tpu.sort %select_n3A_361, %select_n3A_358 masked %masked_sort3A_362 {descending = true} : (vector<16xf32>, vector<16xi32>, vector<16xi1>) -> (vector<16xi1>, vector<16xf32>, vector<16xi32>)
      %ge3A = arith.cmpf oge, %while3A_348, %masked_sort3A_364 : vector<16xf32>
      %max3A = arith.maximumf %while3A_348, %masked_sort3A_364 : vector<16xf32>
      %select_n3A_366 = arith.select %ge3A, %while3A_349, %masked_sort3A_365 : vector<16xi1>, vector<16xi32>
      %masked_sort3A_367 = arith.constant dense<true> : vector<16xi1>
      %masked_sort3A_368, %masked_sort3A_369, %masked_sort3A_370 = tpu.sort %max3A, %select_n3A_366 masked %masked_sort3A_367 : (vector<16xf32>, vector<16xi32>, vector<16xi1>) -> (vector<16xi1>, vector<16xf32>, vector<16xi32>)
      scf.yield %masked_sort3A_369, %masked_sort3A_370 : vector<16xf32>, vector<16xi32>
    }
    %rev3A = arith.constant 15 : i32
    %rev3A_66 = vector.broadcast %rev3A : i32 to vector<16xi32>
    %rev3A_67 = tpu.iota {dimensions = array<i32: 0>} : vector<16xi32>
    %rev3A_68 = arith.subi %rev3A_66, %rev3A_67 : vector<16xi32>
    %rev3A_69 = tpu.dynamic_gather %while3A_65#1[%rev3A_68] in [0] : vector<16xi32>, vector<16xi32> -> vector<16xi32>
    %mul3A_70 = arith.constant 4096 : i32
    %mul3A_71 = arith.muli %add3A_7, %mul3A_70 : i32
    %add3A_72 = vector.broadcast %mul3A_71 : i32 to vector<16xi32>
    %add3A_73 = arith.addi %rev3A_69, %add3A_72 : vector<16xi32>
    %swap3A = arith.constant 0 : index
    %swap3A_74 = tpu.vector_load %arg8[%swap3A] {strides = array<i32>} : memref<64xi32, #tpu.memory_space<vmem>>, vector<16xi32>,
    tpu.vector_store %arg8[%swap3A], %add3A_73 {strides = array<i32>} : memref<64xi32, #tpu.memory_space<vmem>>, vector<16xi32>,
    %add3A_75 = arith.constant 1 : i32
    %add3A_76 = arith.addi %mul3A_2, %add3A_75 : i32
    %dma_wait3A_77 = tpu.memref_slice %arg2[%mul3A_12] : memref<524288xf32, #tpu.memory_space<hbm>> -> memref<4096xf32, #tpu.memory_space<hbm>>
    %dma_wait3A_78 = tpu.memref_slice %arg2[%mul3A_12] : memref<524288xf32, #tpu.memory_space<hbm>> -> memref<4096xf32, #tpu.memory_space<hbm>>
    tpu.wait_dma2 semaphore(%arg11 : memref<!tpu.dma_semaphore, #tpu.memory_space<semaphore_mem>>) src(%dma_wait3A_78 : memref<4096xf32, #tpu.memory_space<hbm>>) dst(%arg6 : memref<4096xf32, #tpu.memory_space<vmem>>)
    %add3A_79 = arith.constant 1 : i32
    %add3A_80 = arith.addi %add3A_76, %add3A_79 : i32
    %mul3A_81 = arith.constant 4096 : i32
    %mul3A_82 = arith.muli %add3A_80, %mul3A_81 : i32
    %dma_start3A_83 = tpu.memref_slice %arg2[%mul3A_82] : memref<524288xf32, #tpu.memory_space<hbm>> -> memref<4096xf32, #tpu.memory_space<hbm>>
    %dma_start3A_84 = tpu.memref_slice %arg2[%mul3A_82] : memref<524288xf32, #tpu.memory_space<hbm>> -> memref<4096xf32, #tpu.memory_space<hbm>>
    tpu.enqueue_dma source(%dma_start3A_84 : memref<4096xf32, #tpu.memory_space<hbm>>) target(%arg5 : memref<4096xf32, #tpu.memory_space<vmem>>) target_semaphore(%arg10 : memref<!tpu.dma_semaphore, #tpu.memory_space<semaphore_mem>>)
    %broadcast_in_dim3A_85 = arith.constant 0xFF800000 : f32
    %broadcast_in_dim3A_86 = vector.broadcast %broadcast_in_dim3A_85 : f32 to vector<16xf32>
    %scan3A_87 = arith.constant 0 : i32
    %scan3A_88 = arith.constant 256 : i32
    %scan3A_89 = arith.addi %scan3A_87, %scan3A_88 : i32
    %scan3A_90 = arith.constant 1 : i32
    %scan3A_91 = scf.for %scan3A_347 = %scan3A_87 to %scan3A_89 step %scan3A_90 iter_args(%scan3A_348 = %broadcast_in_dim3A_86) -> (vector<16xf32>)  : i32 {
      %mul3A_349 = arith.constant 16 : i32
      %mul3A_350 = arith.muli %scan3A_347, %mul3A_349 : i32
      %get3A = arith.index_cast %mul3A_350 : i32 to index
      %get3A_351 = tpu.vector_load %arg6[%get3A] {strides = array<i32>} : memref<4096xf32, #tpu.memory_space<vmem>>, vector<16xf32>,
      %max3A = arith.maximumf %scan3A_348, %get3A_351 : vector<16xf32>
      scf.yield %max3A : vector<16xf32>
    }
    %scan3A_92 = arith.constant 256 : i32
    %masked_sort3A_93 = arith.constant dense<true> : vector<16xi1>
    %masked_sort3A_94, %masked_sort3A_95, %masked_sort3A_96 = tpu.sort %scan3A_91, %iota3A masked %masked_sort3A_93 : (vector<16xf32>, vector<16xi32>, vector<16xi1>) -> (vector<16xi1>, vector<16xf32>, vector<16xi32>)
    %slice3A_97 = vector.extract_strided_slice %masked_sort3A_95 {offsets = [8], sizes = [1], strides = [1]} : vector<16xf32> to vector<1xf32>
    %squeeze3A_98 = vector.extract %slice3A_97[0] : f32 from vector<1xf32>
    %broadcast_in_dim3A_99 = vector.broadcast %squeeze3A_98 : f32 to vector<16xf32>
    %scan3A_100 = arith.constant 0 : i32
    %scan3A_101 = arith.constant 0 : i32
    %scan3A_102 = arith.constant 256 : i32
    %scan3A_103 = arith.addi %scan3A_101, %scan3A_102 : i32
    %scan3A_104 = arith.constant 1 : i32
    %scan3A_105 = scf.for %scan3A_347 = %scan3A_101 to %scan3A_103 step %scan3A_104 iter_args(%scan3A_348 = %scan3A_100) -> (i32)  : i32 {
      %mul3A_349 = arith.constant 16 : i32
      %mul3A_350 = arith.muli %scan3A_347, %mul3A_349 : i32
      %get3A = arith.index_cast %mul3A_350 : i32 to index
      %get3A_351 = tpu.vector_load %arg6[%get3A] {strides = array<i32>} : memref<4096xf32, #tpu.memory_space<vmem>>, vector<16xf32>,
      %ge3A = arith.cmpf oge, %get3A_351, %broadcast_in_dim3A_99 : vector<16xf32>
      %mul3A_352 = arith.constant 16 : i32
      %mul3A_353 = arith.muli %scan3A_347, %mul3A_352 : i32
      %add3A_354 = vector.broadcast %mul3A_353 : i32 to vector<16xi32>
      %add3A_355 = arith.addi %iota3A, %add3A_354 : vector<16xi32>
      %swap3A_356 = arith.index_cast %scan3A_348 : i32 to index
      %swap3A_357 = tpu.vector_load %arg7[%swap3A_356] masked %ge3A {strides = array<i32>} : memref<4112xi32, #tpu.memory_space<vmem>>, vector<16xi32>, vector<16xi1>
      tpu.vector_store %arg7[%swap3A_356], %add3A_355 masked %ge3A {strides = array<i32>} : memref<4112xi32, #tpu.memory_space<vmem>>, vector<16xi32>, vector<16xi1>
      %all_reduce_population_count3A = tpu.all_reduce %ge3A {dim = 0 : i64, kind = #tpu.reduction_kind<sum>} : vector<16xi1> -> vector<16xi32>
      %slice3A_358 = vector.extract_strided_slice %all_reduce_population_count3A {offsets = [0], sizes = [1], strides = [1]} : vector<16xi32> to vector<1xi32>
      %squeeze3A_359 = vector.extract %slice3A_358[0] : i32 from vector<1xi32>
      %add3A_360 = arith.addi %scan3A_348, %squeeze3A_359 : i32
      scf.yield %add3A_360 : i32
    }
    %scan3A_106 = arith.constant 256 : i32
    %add3A_107 = arith.constant 16 : i32
    %add3A_108 = arith.addi %scan3A_105, %add3A_107 : i32
    %sub3A_109 = arith.constant 1 : i32
    %sub3A_110 = arith.subi %add3A_108, %sub3A_109 : i32
    %jit3A_111 = arith.constant 16 : i32
    %div3A_112 = arith.divsi %sub3A_110, %jit3A_111 : i32
    %sign3A_113 = arith.constant 0 : i32
    %sign3A_114 = arith.cmpi sgt, %sub3A_110, %sign3A_113 : i32
    %sign3A_115 = arith.extui %sign3A_114 : i1 to i32
    %sign3A_116 = arith.constant 0 : i32
    %sign3A_117 = arith.cmpi slt, %sub3A_110, %sign3A_116 : i32
    %sign3A_118 = arith.extui %sign3A_117 : i1 to i32
    %sign3A_119 = arith.subi %sign3A_115, %sign3A_118 : i32
    %sign3A_120 = arith.constant 0 : i32
    %sign3A_121 = arith.cmpi sgt, %jit3A_111, %sign3A_120 : i32
    %sign3A_122 = arith.extui %sign3A_121 : i1 to i32
    %sign3A_123 = arith.constant 0 : i32
    %sign3A_124 = arith.cmpi slt, %jit3A_111, %sign3A_123 : i32
    %sign3A_125 = arith.extui %sign3A_124 : i1 to i32
    %sign3A_126 = arith.subi %sign3A_122, %sign3A_125 : i32
    %ne3A_127 = arith.cmpi ne, %sign3A_119, %sign3A_126 : i32
    %rem3A_128 = arith.remsi %sub3A_110, %jit3A_111 : i32
    %ne3A_129 = arith.constant 0 : i32
    %ne3A_130 = arith.cmpi ne, %rem3A_128, %ne3A_129 : i32
    %and3A_131 = arith.andi %ne3A_127, %ne3A_130 : i1
    %sub3A_132 = arith.constant 1 : i32
    %sub3A_133 = arith.subi %div3A_112, %sub3A_132 : i32
    %select_n3A_134 = arith.select %and3A_131, %sub3A_133, %div3A_112 : i32
    %broadcast_in_dim3A_135 = arith.constant 0xFF800000 : f32
    %broadcast_in_dim3A_136 = vector.broadcast %broadcast_in_dim3A_135 : f32 to vector<16xf32>
    %broadcast_in_dim3A_137 = arith.constant 0 : i32
    %broadcast_in_dim3A_138 = vector.broadcast %broadcast_in_dim3A_137 : i32 to vector<16xi32>
    %while3A_139 = arith.constant 0 : i32
    %while3A_140 = arith.subi %select_n3A_134, %while3A_139 : i32
    %while3A_141 = arith.addi %while3A_139, %while3A_140 : i32
    %while3A_142 = arith.constant 1 : i32
    %while3A_143 = arith.divsi %while3A_140, %while3A_142 : i32
    %while3A_144 = arith.muli %while3A_143, %while3A_142 : i32
    %while3A_145 = arith.addi %while3A_139, %while3A_144 : i32
    %while3A_146 = arith.constant 1 : i32
    %while3A_147:2 = scf.for %while3A_347 = %while3A_139 to %while3A_145 step %while3A_146 iter_args(%while3A_348 = %broadcast_in_dim3A_136, %while3A_349 = %broadcast_in_dim3A_138) -> (vector<16xf32>, vector<16xi32>)  : i32 {
      %mul3A_350 = arith.constant 16 : i32
      %mul3A_351 = arith.muli %while3A_347, %mul3A_350 : i32
      %get3A = arith.index_cast %mul3A_351 : i32 to index
      %get3A_352 = tpu.vector_load %arg7[%get3A] {strides = array<i32>} : memref<4112xi32, #tpu.memory_space<vmem>>, vector<16xi32>,
      %add3A_353 = vector.broadcast %mul3A_351 : i32 to vector<16xi32>
      %add3A_354 = arith.addi %iota3A, %add3A_353 : vector<16xi32>
      %lt3A = vector.broadcast %scan3A_105 : i32 to vector<16xi32>
      %lt3A_355 = arith.cmpi slt, %add3A_354, %lt3A : vector<16xi32>
      %jit3A_356 = arith.constant 0 : i32
      %broadcast_in_dim3A_357 = vector.broadcast %jit3A_356 : i32 to vector<16xi32>
      %select_n3A_358 = arith.select %lt3A_355, %get3A_352, %broadcast_in_dim3A_357 : vector<16xi1>, vector<16xi32>
      %gather3A = tpu.vector_load_idx %arg6[%select_n3A_358] : memref<4096xf32, #tpu.memory_space<vmem>>[vector<16xi32>], vector<16xf32>,
      %jit3A_359 = arith.constant 0xFF800000 : f32
      %broadcast_in_dim3A_360 = vector.broadcast %jit3A_359 : f32 to vector<16xf32>
      %select_n3A_361 = arith.select %lt3A_355, %gather3A, %broadcast_in_dim3A_360 : vector<16xi1>, vector<16xf32>
      %masked_sort3A_362 = arith.constant dense<true> : vector<16xi1>
      %masked_sort3A_363, %masked_sort3A_364, %masked_sort3A_365 = tpu.sort %select_n3A_361, %select_n3A_358 masked %masked_sort3A_362 {descending = true} : (vector<16xf32>, vector<16xi32>, vector<16xi1>) -> (vector<16xi1>, vector<16xf32>, vector<16xi32>)
      %ge3A = arith.cmpf oge, %while3A_348, %masked_sort3A_364 : vector<16xf32>
      %max3A = arith.maximumf %while3A_348, %masked_sort3A_364 : vector<16xf32>
      %select_n3A_366 = arith.select %ge3A, %while3A_349, %masked_sort3A_365 : vector<16xi1>, vector<16xi32>
      %masked_sort3A_367 = arith.constant dense<true> : vector<16xi1>
      %masked_sort3A_368, %masked_sort3A_369, %masked_sort3A_370 = tpu.sort %max3A, %select_n3A_366 masked %masked_sort3A_367 : (vector<16xf32>, vector<16xi32>, vector<16xi1>) -> (vector<16xi1>, vector<16xf32>, vector<16xi32>)
      scf.yield %masked_sort3A_369, %masked_sort3A_370 : vector<16xf32>, vector<16xi32>
    }
    %while3A_148 = arith.constant 1 : i32
    %while3A_149:2 = scf.for %while3A_347 = %while3A_145 to %while3A_141 step %while3A_148 iter_args(%while3A_348 = %while3A_147#0, %while3A_349 = %while3A_147#1) -> (vector<16xf32>, vector<16xi32>)  : i32 {
      %mul3A_350 = arith.constant 16 : i32
      %mul3A_351 = arith.muli %while3A_347, %mul3A_350 : i32
      %get3A = arith.index_cast %mul3A_351 : i32 to index
      %get3A_352 = tpu.vector_load %arg7[%get3A] {strides = array<i32>} : memref<4112xi32, #tpu.memory_space<vmem>>, vector<16xi32>,
      %add3A_353 = vector.broadcast %mul3A_351 : i32 to vector<16xi32>
      %add3A_354 = arith.addi %iota3A, %add3A_353 : vector<16xi32>
      %lt3A = vector.broadcast %scan3A_105 : i32 to vector<16xi32>
      %lt3A_355 = arith.cmpi slt, %add3A_354, %lt3A : vector<16xi32>
      %jit3A_356 = arith.constant 0 : i32
      %broadcast_in_dim3A_357 = vector.broadcast %jit3A_356 : i32 to vector<16xi32>
      %select_n3A_358 = arith.select %lt3A_355, %get3A_352, %broadcast_in_dim3A_357 : vector<16xi1>, vector<16xi32>
      %gather3A = tpu.vector_load_idx %arg6[%select_n3A_358] : memref<4096xf32, #tpu.memory_space<vmem>>[vector<16xi32>], vector<16xf32>,
      %jit3A_359 = arith.constant 0xFF800000 : f32
      %broadcast_in_dim3A_360 = vector.broadcast %jit3A_359 : f32 to vector<16xf32>
      %select_n3A_361 = arith.select %lt3A_355, %gather3A, %broadcast_in_dim3A_360 : vector<16xi1>, vector<16xf32>
      %masked_sort3A_362 = arith.constant dense<true> : vector<16xi1>
      %masked_sort3A_363, %masked_sort3A_364, %masked_sort3A_365 = tpu.sort %select_n3A_361, %select_n3A_358 masked %masked_sort3A_362 {descending = true} : (vector<16xf32>, vector<16xi32>, vector<16xi1>) -> (vector<16xi1>, vector<16xf32>, vector<16xi32>)
      %ge3A = arith.cmpf oge, %while3A_348, %masked_sort3A_364 : vector<16xf32>
      %max3A = arith.maximumf %while3A_348, %masked_sort3A_364 : vector<16xf32>
      %select_n3A_366 = arith.select %ge3A, %while3A_349, %masked_sort3A_365 : vector<16xi1>, vector<16xi32>
      %masked_sort3A_367 = arith.constant dense<true> : vector<16xi1>
      %masked_sort3A_368, %masked_sort3A_369, %masked_sort3A_370 = tpu.sort %max3A, %select_n3A_366 masked %masked_sort3A_367 : (vector<16xf32>, vector<16xi32>, vector<16xi1>) -> (vector<16xi1>, vector<16xf32>, vector<16xi32>)
      scf.yield %masked_sort3A_369, %masked_sort3A_370 : vector<16xf32>, vector<16xi32>
    }
    %rev3A_150 = arith.constant 15 : i32
    %rev3A_151 = vector.broadcast %rev3A_150 : i32 to vector<16xi32>
    %rev3A_152 = tpu.iota {dimensions = array<i32: 0>} : vector<16xi32>
    %rev3A_153 = arith.subi %rev3A_151, %rev3A_152 : vector<16xi32>
    %rev3A_154 = tpu.dynamic_gather %while3A_149#1[%rev3A_153] in [0] : vector<16xi32>, vector<16xi32> -> vector<16xi32>
    %mul3A_155 = arith.constant 4096 : i32
    %mul3A_156 = arith.muli %add3A_76, %mul3A_155 : i32
    %add3A_157 = vector.broadcast %mul3A_156 : i32 to vector<16xi32>
    %add3A_158 = arith.addi %rev3A_154, %add3A_157 : vector<16xi32>
    %swap3A_159 = arith.constant 16 : index
    %swap3A_160 = tpu.vector_load %arg8[%swap3A_159] {strides = array<i32>} : memref<64xi32, #tpu.memory_space<vmem>>, vector<16xi32>,
    tpu.vector_store %arg8[%swap3A_159], %add3A_158 {strides = array<i32>} : memref<64xi32, #tpu.memory_space<vmem>>, vector<16xi32>,
    %add3A_161 = arith.constant 2 : i32
    %add3A_162 = arith.addi %mul3A_2, %add3A_161 : i32
    %dma_wait3A_163 = tpu.memref_slice %arg2[%mul3A_82] : memref<524288xf32, #tpu.memory_space<hbm>> -> memref<4096xf32, #tpu.memory_space<hbm>>
    %dma_wait3A_164 = tpu.memref_slice %arg2[%mul3A_82] : memref<524288xf32, #tpu.memory_space<hbm>> -> memref<4096xf32, #tpu.memory_space<hbm>>
    tpu.wait_dma2 semaphore(%arg10 : memref<!tpu.dma_semaphore, #tpu.memory_space<semaphore_mem>>) src(%dma_wait3A_164 : memref<4096xf32, #tpu.memory_space<hbm>>) dst(%arg5 : memref<4096xf32, #tpu.memory_space<vmem>>)
    %add3A_165 = arith.constant 1 : i32
    %add3A_166 = arith.addi %add3A_162, %add3A_165 : i32
    %mul3A_167 = arith.constant 4096 : i32
    %mul3A_168 = arith.muli %add3A_166, %mul3A_167 : i32
    %dma_start3A_169 = tpu.memref_slice %arg2[%mul3A_168] : memref<524288xf32, #tpu.memory_space<hbm>> -> memref<4096xf32, #tpu.memory_space<hbm>>
    %dma_start3A_170 = tpu.memref_slice %arg2[%mul3A_168] : memref<524288xf32, #tpu.memory_space<hbm>> -> memref<4096xf32, #tpu.memory_space<hbm>>
    tpu.enqueue_dma source(%dma_start3A_170 : memref<4096xf32, #tpu.memory_space<hbm>>) target(%arg6 : memref<4096xf32, #tpu.memory_space<vmem>>) target_semaphore(%arg11 : memref<!tpu.dma_semaphore, #tpu.memory_space<semaphore_mem>>)
    %broadcast_in_dim3A_171 = arith.constant 0xFF800000 : f32
    %broadcast_in_dim3A_172 = vector.broadcast %broadcast_in_dim3A_171 : f32 to vector<16xf32>
    %scan3A_173 = arith.constant 0 : i32
    %scan3A_174 = arith.constant 256 : i32
    %scan3A_175 = arith.addi %scan3A_173, %scan3A_174 : i32
    %scan3A_176 = arith.constant 1 : i32
    %scan3A_177 = scf.for %scan3A_347 = %scan3A_173 to %scan3A_175 step %scan3A_176 iter_args(%scan3A_348 = %broadcast_in_dim3A_172) -> (vector<16xf32>)  : i32 {
      %mul3A_349 = arith.constant 16 : i32
      %mul3A_350 = arith.muli %scan3A_347, %mul3A_349 : i32
      %get3A = arith.index_cast %mul3A_350 : i32 to index
      %get3A_351 = tpu.vector_load %arg5[%get3A] {strides = array<i32>} : memref<4096xf32, #tpu.memory_space<vmem>>, vector<16xf32>,
      %max3A = arith.maximumf %scan3A_348, %get3A_351 : vector<16xf32>
      scf.yield %max3A : vector<16xf32>
    }
    %scan3A_178 = arith.constant 256 : i32
    %masked_sort3A_179 = arith.constant dense<true> : vector<16xi1>
    %masked_sort3A_180, %masked_sort3A_181, %masked_sort3A_182 = tpu.sort %scan3A_177, %iota3A masked %masked_sort3A_179 : (vector<16xf32>, vector<16xi32>, vector<16xi1>) -> (vector<16xi1>, vector<16xf32>, vector<16xi32>)
    %slice3A_183 = vector.extract_strided_slice %masked_sort3A_181 {offsets = [8], sizes = [1], strides = [1]} : vector<16xf32> to vector<1xf32>
    %squeeze3A_184 = vector.extract %slice3A_183[0] : f32 from vector<1xf32>
    %broadcast_in_dim3A_185 = vector.broadcast %squeeze3A_184 : f32 to vector<16xf32>
    %scan3A_186 = arith.constant 0 : i32
    %scan3A_187 = arith.constant 0 : i32
    %scan3A_188 = arith.constant 256 : i32
    %scan3A_189 = arith.addi %scan3A_187, %scan3A_188 : i32
    %scan3A_190 = arith.constant 1 : i32
    %scan3A_191 = scf.for %scan3A_347 = %scan3A_187 to %scan3A_189 step %scan3A_190 iter_args(%scan3A_348 = %scan3A_186) -> (i32)  : i32 {
      %mul3A_349 = arith.constant 16 : i32
      %mul3A_350 = arith.muli %scan3A_347, %mul3A_349 : i32
      %get3A = arith.index_cast %mul3A_350 : i32 to index
      %get3A_351 = tpu.vector_load %arg5[%get3A] {strides = array<i32>} : memref<4096xf32, #tpu.memory_space<vmem>>, vector<16xf32>,
      %ge3A = arith.cmpf oge, %get3A_351, %broadcast_in_dim3A_185 : vector<16xf32>
      %mul3A_352 = arith.constant 16 : i32
      %mul3A_353 = arith.muli %scan3A_347, %mul3A_352 : i32
      %add3A_354 = vector.broadcast %mul3A_353 : i32 to vector<16xi32>
      %add3A_355 = arith.addi %iota3A, %add3A_354 : vector<16xi32>
      %swap3A_356 = arith.index_cast %scan3A_348 : i32 to index
      %swap3A_357 = tpu.vector_load %arg7[%swap3A_356] masked %ge3A {strides = array<i32>} : memref<4112xi32, #tpu.memory_space<vmem>>, vector<16xi32>, vector<16xi1>
      tpu.vector_store %arg7[%swap3A_356], %add3A_355 masked %ge3A {strides = array<i32>} : memref<4112xi32, #tpu.memory_space<vmem>>, vector<16xi32>, vector<16xi1>
      %all_reduce_population_count3A = tpu.all_reduce %ge3A {dim = 0 : i64, kind = #tpu.reduction_kind<sum>} : vector<16xi1> -> vector<16xi32>
      %slice3A_358 = vector.extract_strided_slice %all_reduce_population_count3A {offsets = [0], sizes = [1], strides = [1]} : vector<16xi32> to vector<1xi32>
      %squeeze3A_359 = vector.extract %slice3A_358[0] : i32 from vector<1xi32>
      %add3A_360 = arith.addi %scan3A_348, %squeeze3A_359 : i32
      scf.yield %add3A_360 : i32
    }
    %scan3A_192 = arith.constant 256 : i32
    %add3A_193 = arith.constant 16 : i32
    %add3A_194 = arith.addi %scan3A_191, %add3A_193 : i32
    %sub3A_195 = arith.constant 1 : i32
    %sub3A_196 = arith.subi %add3A_194, %sub3A_195 : i32
    %jit3A_197 = arith.constant 16 : i32
    %div3A_198 = arith.divsi %sub3A_196, %jit3A_197 : i32
    %sign3A_199 = arith.constant 0 : i32
    %sign3A_200 = arith.cmpi sgt, %sub3A_196, %sign3A_199 : i32
    %sign3A_201 = arith.extui %sign3A_200 : i1 to i32
    %sign3A_202 = arith.constant 0 : i32
    %sign3A_203 = arith.cmpi slt, %sub3A_196, %sign3A_202 : i32
    %sign3A_204 = arith.extui %sign3A_203 : i1 to i32
    %sign3A_205 = arith.subi %sign3A_201, %sign3A_204 : i32
    %sign3A_206 = arith.constant 0 : i32
    %sign3A_207 = arith.cmpi sgt, %jit3A_197, %sign3A_206 : i32
    %sign3A_208 = arith.extui %sign3A_207 : i1 to i32
    %sign3A_209 = arith.constant 0 : i32
    %sign3A_210 = arith.cmpi slt, %jit3A_197, %sign3A_209 : i32
    %sign3A_211 = arith.extui %sign3A_210 : i1 to i32
    %sign3A_212 = arith.subi %sign3A_208, %sign3A_211 : i32
    %ne3A_213 = arith.cmpi ne, %sign3A_205, %sign3A_212 : i32
    %rem3A_214 = arith.remsi %sub3A_196, %jit3A_197 : i32
    %ne3A_215 = arith.constant 0 : i32
    %ne3A_216 = arith.cmpi ne, %rem3A_214, %ne3A_215 : i32
    %and3A_217 = arith.andi %ne3A_213, %ne3A_216 : i1
    %sub3A_218 = arith.constant 1 : i32
    %sub3A_219 = arith.subi %div3A_198, %sub3A_218 : i32
    %select_n3A_220 = arith.select %and3A_217, %sub3A_219, %div3A_198 : i32
    %broadcast_in_dim3A_221 = arith.constant 0xFF800000 : f32
    %broadcast_in_dim3A_222 = vector.broadcast %broadcast_in_dim3A_221 : f32 to vector<16xf32>
    %broadcast_in_dim3A_223 = arith.constant 0 : i32
    %broadcast_in_dim3A_224 = vector.broadcast %broadcast_in_dim3A_223 : i32 to vector<16xi32>
    %while3A_225 = arith.constant 0 : i32
    %while3A_226 = arith.subi %select_n3A_220, %while3A_225 : i32
    %while3A_227 = arith.addi %while3A_225, %while3A_226 : i32
    %while3A_228 = arith.constant 1 : i32
    %while3A_229 = arith.divsi %while3A_226, %while3A_228 : i32
    %while3A_230 = arith.muli %while3A_229, %while3A_228 : i32
    %while3A_231 = arith.addi %while3A_225, %while3A_230 : i32
    %while3A_232 = arith.constant 1 : i32
    %while3A_233:2 = scf.for %while3A_347 = %while3A_225 to %while3A_231 step %while3A_232 iter_args(%while3A_348 = %broadcast_in_dim3A_222, %while3A_349 = %broadcast_in_dim3A_224) -> (vector<16xf32>, vector<16xi32>)  : i32 {
      %mul3A_350 = arith.constant 16 : i32
      %mul3A_351 = arith.muli %while3A_347, %mul3A_350 : i32
      %get3A = arith.index_cast %mul3A_351 : i32 to index
      %get3A_352 = tpu.vector_load %arg7[%get3A] {strides = array<i32>} : memref<4112xi32, #tpu.memory_space<vmem>>, vector<16xi32>,
      %add3A_353 = vector.broadcast %mul3A_351 : i32 to vector<16xi32>
      %add3A_354 = arith.addi %iota3A, %add3A_353 : vector<16xi32>
      %lt3A = vector.broadcast %scan3A_191 : i32 to vector<16xi32>
      %lt3A_355 = arith.cmpi slt, %add3A_354, %lt3A : vector<16xi32>
      %jit3A_356 = arith.constant 0 : i32
      %broadcast_in_dim3A_357 = vector.broadcast %jit3A_356 : i32 to vector<16xi32>
      %select_n3A_358 = arith.select %lt3A_355, %get3A_352, %broadcast_in_dim3A_357 : vector<16xi1>, vector<16xi32>
      %gather3A = tpu.vector_load_idx %arg5[%select_n3A_358] : memref<4096xf32, #tpu.memory_space<vmem>>[vector<16xi32>], vector<16xf32>,
      %jit3A_359 = arith.constant 0xFF800000 : f32
      %broadcast_in_dim3A_360 = vector.broadcast %jit3A_359 : f32 to vector<16xf32>
      %select_n3A_361 = arith.select %lt3A_355, %gather3A, %broadcast_in_dim3A_360 : vector<16xi1>, vector<16xf32>
      %masked_sort3A_362 = arith.constant dense<true> : vector<16xi1>
      %masked_sort3A_363, %masked_sort3A_364, %masked_sort3A_365 = tpu.sort %select_n3A_361, %select_n3A_358 masked %masked_sort3A_362 {descending = true} : (vector<16xf32>, vector<16xi32>, vector<16xi1>) -> (vector<16xi1>, vector<16xf32>, vector<16xi32>)
      %ge3A = arith.cmpf oge, %while3A_348, %masked_sort3A_364 : vector<16xf32>
      %max3A = arith.maximumf %while3A_348, %masked_sort3A_364 : vector<16xf32>
      %select_n3A_366 = arith.select %ge3A, %while3A_349, %masked_sort3A_365 : vector<16xi1>, vector<16xi32>
      %masked_sort3A_367 = arith.constant dense<true> : vector<16xi1>
      %masked_sort3A_368, %masked_sort3A_369, %masked_sort3A_370 = tpu.sort %max3A, %select_n3A_366 masked %masked_sort3A_367 : (vector<16xf32>, vector<16xi32>, vector<16xi1>) -> (vector<16xi1>, vector<16xf32>, vector<16xi32>)
      scf.yield %masked_sort3A_369, %masked_sort3A_370 : vector<16xf32>, vector<16xi32>
    }
    %while3A_234 = arith.constant 1 : i32
    %while3A_235:2 = scf.for %while3A_347 = %while3A_231 to %while3A_227 step %while3A_234 iter_args(%while3A_348 = %while3A_233#0, %while3A_349 = %while3A_233#1) -> (vector<16xf32>, vector<16xi32>)  : i32 {
      %mul3A_350 = arith.constant 16 : i32
      %mul3A_351 = arith.muli %while3A_347, %mul3A_350 : i32
      %get3A = arith.index_cast %mul3A_351 : i32 to index
      %get3A_352 = tpu.vector_load %arg7[%get3A] {strides = array<i32>} : memref<4112xi32, #tpu.memory_space<vmem>>, vector<16xi32>,
      %add3A_353 = vector.broadcast %mul3A_351 : i32 to vector<16xi32>
      %add3A_354 = arith.addi %iota3A, %add3A_353 : vector<16xi32>
      %lt3A = vector.broadcast %scan3A_191 : i32 to vector<16xi32>
      %lt3A_355 = arith.cmpi slt, %add3A_354, %lt3A : vector<16xi32>
      %jit3A_356 = arith.constant 0 : i32
      %broadcast_in_dim3A_357 = vector.broadcast %jit3A_356 : i32 to vector<16xi32>
      %select_n3A_358 = arith.select %lt3A_355, %get3A_352, %broadcast_in_dim3A_357 : vector<16xi1>, vector<16xi32>
      %gather3A = tpu.vector_load_idx %arg5[%select_n3A_358] : memref<4096xf32, #tpu.memory_space<vmem>>[vector<16xi32>], vector<16xf32>,
      %jit3A_359 = arith.constant 0xFF800000 : f32
      %broadcast_in_dim3A_360 = vector.broadcast %jit3A_359 : f32 to vector<16xf32>
      %select_n3A_361 = arith.select %lt3A_355, %gather3A, %broadcast_in_dim3A_360 : vector<16xi1>, vector<16xf32>
      %masked_sort3A_362 = arith.constant dense<true> : vector<16xi1>
      %masked_sort3A_363, %masked_sort3A_364, %masked_sort3A_365 = tpu.sort %select_n3A_361, %select_n3A_358 masked %masked_sort3A_362 {descending = true} : (vector<16xf32>, vector<16xi32>, vector<16xi1>) -> (vector<16xi1>, vector<16xf32>, vector<16xi32>)
      %ge3A = arith.cmpf oge, %while3A_348, %masked_sort3A_364 : vector<16xf32>
      %max3A = arith.maximumf %while3A_348, %masked_sort3A_364 : vector<16xf32>
      %select_n3A_366 = arith.select %ge3A, %while3A_349, %masked_sort3A_365 : vector<16xi1>, vector<16xi32>
      %masked_sort3A_367 = arith.constant dense<true> : vector<16xi1>
      %masked_sort3A_368, %masked_sort3A_369, %masked_sort3A_370 = tpu.sort %max3A, %select_n3A_366 masked %masked_sort3A_367 : (vector<16xf32>, vector<16xi32>, vector<16xi1>) -> (vector<16xi1>, vector<16xf32>, vector<16xi32>)
      scf.yield %masked_sort3A_369, %masked_sort3A_370 : vector<16xf32>, vector<16xi32>
    }
    %rev3A_236 = arith.constant 15 : i32
    %rev3A_237 = vector.broadcast %rev3A_236 : i32 to vector<16xi32>
    %rev3A_238 = tpu.iota {dimensions = array<i32: 0>} : vector<16xi32>
    %rev3A_239 = arith.subi %rev3A_237, %rev3A_238 : vector<16xi32>
    %rev3A_240 = tpu.dynamic_gather %while3A_235#1[%rev3A_239] in [0] : vector<16xi32>, vector<16xi32> -> vector<16xi32>
    %mul3A_241 = arith.constant 4096 : i32
    %mul3A_242 = arith.muli %add3A_162, %mul3A_241 : i32
    %add3A_243 = vector.broadcast %mul3A_242 : i32 to vector<16xi32>
    %add3A_244 = arith.addi %rev3A_240, %add3A_243 : vector<16xi32>
    %swap3A_245 = arith.constant 32 : index
    %swap3A_246 = tpu.vector_load %arg8[%swap3A_245] {strides = array<i32>} : memref<64xi32, #tpu.memory_space<vmem>>, vector<16xi32>,
    tpu.vector_store %arg8[%swap3A_245], %add3A_244 {strides = array<i32>} : memref<64xi32, #tpu.memory_space<vmem>>, vector<16xi32>,
    %add3A_247 = arith.constant 3 : i32
    %add3A_248 = arith.addi %mul3A_2, %add3A_247 : i32
    %dma_wait3A_249 = tpu.memref_slice %arg2[%mul3A_168] : memref<524288xf32, #tpu.memory_space<hbm>> -> memref<4096xf32, #tpu.memory_space<hbm>>
    %dma_wait3A_250 = tpu.memref_slice %arg2[%mul3A_168] : memref<524288xf32, #tpu.memory_space<hbm>> -> memref<4096xf32, #tpu.memory_space<hbm>>
    tpu.wait_dma2 semaphore(%arg11 : memref<!tpu.dma_semaphore, #tpu.memory_space<semaphore_mem>>) src(%dma_wait3A_250 : memref<4096xf32, #tpu.memory_space<hbm>>) dst(%arg6 : memref<4096xf32, #tpu.memory_space<vmem>>)
    %broadcast_in_dim3A_251 = arith.constant 0xFF800000 : f32
    %broadcast_in_dim3A_252 = vector.broadcast %broadcast_in_dim3A_251 : f32 to vector<16xf32>
    %scan3A_253 = arith.constant 0 : i32
    %scan3A_254 = arith.constant 256 : i32
    %scan3A_255 = arith.addi %scan3A_253, %scan3A_254 : i32
    %scan3A_256 = arith.constant 1 : i32
    %scan3A_257 = scf.for %scan3A_347 = %scan3A_253 to %scan3A_255 step %scan3A_256 iter_args(%scan3A_348 = %broadcast_in_dim3A_252) -> (vector<16xf32>)  : i32 {
      %mul3A_349 = arith.constant 16 : i32
      %mul3A_350 = arith.muli %scan3A_347, %mul3A_349 : i32
      %get3A = arith.index_cast %mul3A_350 : i32 to index
      %get3A_351 = tpu.vector_load %arg6[%get3A] {strides = array<i32>} : memref<4096xf32, #tpu.memory_space<vmem>>, vector<16xf32>,
      %max3A = arith.maximumf %scan3A_348, %get3A_351 : vector<16xf32>
      scf.yield %max3A : vector<16xf32>
    }
    %scan3A_258 = arith.constant 256 : i32
    %masked_sort3A_259 = arith.constant dense<true> : vector<16xi1>
    %masked_sort3A_260, %masked_sort3A_261, %masked_sort3A_262 = tpu.sort %scan3A_257, %iota3A masked %masked_sort3A_259 : (vector<16xf32>, vector<16xi32>, vector<16xi1>) -> (vector<16xi1>, vector<16xf32>, vector<16xi32>)
    %slice3A_263 = vector.extract_strided_slice %masked_sort3A_261 {offsets = [8], sizes = [1], strides = [1]} : vector<16xf32> to vector<1xf32>
    %squeeze3A_264 = vector.extract %slice3A_263[0] : f32 from vector<1xf32>
    %broadcast_in_dim3A_265 = vector.broadcast %squeeze3A_264 : f32 to vector<16xf32>
    %scan3A_266 = arith.constant 0 : i32
    %scan3A_267 = arith.constant 0 : i32
    %scan3A_268 = arith.constant 256 : i32
    %scan3A_269 = arith.addi %scan3A_267, %scan3A_268 : i32
    %scan3A_270 = arith.constant 1 : i32
    %scan3A_271 = scf.for %scan3A_347 = %scan3A_267 to %scan3A_269 step %scan3A_270 iter_args(%scan3A_348 = %scan3A_266) -> (i32)  : i32 {
      %mul3A_349 = arith.constant 16 : i32
      %mul3A_350 = arith.muli %scan3A_347, %mul3A_349 : i32
      %get3A = arith.index_cast %mul3A_350 : i32 to index
      %get3A_351 = tpu.vector_load %arg6[%get3A] {strides = array<i32>} : memref<4096xf32, #tpu.memory_space<vmem>>, vector<16xf32>,
      %ge3A = arith.cmpf oge, %get3A_351, %broadcast_in_dim3A_265 : vector<16xf32>
      %mul3A_352 = arith.constant 16 : i32
      %mul3A_353 = arith.muli %scan3A_347, %mul3A_352 : i32
      %add3A_354 = vector.broadcast %mul3A_353 : i32 to vector<16xi32>
      %add3A_355 = arith.addi %iota3A, %add3A_354 : vector<16xi32>
      %swap3A_356 = arith.index_cast %scan3A_348 : i32 to index
      %swap3A_357 = tpu.vector_load %arg7[%swap3A_356] masked %ge3A {strides = array<i32>} : memref<4112xi32, #tpu.memory_space<vmem>>, vector<16xi32>, vector<16xi1>
      tpu.vector_store %arg7[%swap3A_356], %add3A_355 masked %ge3A {strides = array<i32>} : memref<4112xi32, #tpu.memory_space<vmem>>, vector<16xi32>, vector<16xi1>
      %all_reduce_population_count3A = tpu.all_reduce %ge3A {dim = 0 : i64, kind = #tpu.reduction_kind<sum>} : vector<16xi1> -> vector<16xi32>
      %slice3A_358 = vector.extract_strided_slice %all_reduce_population_count3A {offsets = [0], sizes = [1], strides = [1]} : vector<16xi32> to vector<1xi32>
      %squeeze3A_359 = vector.extract %slice3A_358[0] : i32 from vector<1xi32>
      %add3A_360 = arith.addi %scan3A_348, %squeeze3A_359 : i32
      scf.yield %add3A_360 : i32
    }
    %scan3A_272 = arith.constant 256 : i32
    %add3A_273 = arith.constant 16 : i32
    %add3A_274 = arith.addi %scan3A_271, %add3A_273 : i32
    %sub3A_275 = arith.constant 1 : i32
    %sub3A_276 = arith.subi %add3A_274, %sub3A_275 : i32
    %jit3A_277 = arith.constant 16 : i32
    %div3A_278 = arith.divsi %sub3A_276, %jit3A_277 : i32
    %sign3A_279 = arith.constant 0 : i32
    %sign3A_280 = arith.cmpi sgt, %sub3A_276, %sign3A_279 : i32
    %sign3A_281 = arith.extui %sign3A_280 : i1 to i32
    %sign3A_282 = arith.constant 0 : i32
    %sign3A_283 = arith.cmpi slt, %sub3A_276, %sign3A_282 : i32
    %sign3A_284 = arith.extui %sign3A_283 : i1 to i32
    %sign3A_285 = arith.subi %sign3A_281, %sign3A_284 : i32
    %sign3A_286 = arith.constant 0 : i32
    %sign3A_287 = arith.cmpi sgt, %jit3A_277, %sign3A_286 : i32
    %sign3A_288 = arith.extui %sign3A_287 : i1 to i32
    %sign3A_289 = arith.constant 0 : i32
    %sign3A_290 = arith.cmpi slt, %jit3A_277, %sign3A_289 : i32
    %sign3A_291 = arith.extui %sign3A_290 : i1 to i32
    %sign3A_292 = arith.subi %sign3A_288, %sign3A_291 : i32
    %ne3A_293 = arith.cmpi ne, %sign3A_285, %sign3A_292 : i32
    %rem3A_294 = arith.remsi %sub3A_276, %jit3A_277 : i32
    %ne3A_295 = arith.constant 0 : i32
    %ne3A_296 = arith.cmpi ne, %rem3A_294, %ne3A_295 : i32
    %and3A_297 = arith.andi %ne3A_293, %ne3A_296 : i1
    %sub3A_298 = arith.constant 1 : i32
    %sub3A_299 = arith.subi %div3A_278, %sub3A_298 : i32
    %select_n3A_300 = arith.select %and3A_297, %sub3A_299, %div3A_278 : i32
    %broadcast_in_dim3A_301 = arith.constant 0xFF800000 : f32
    %broadcast_in_dim3A_302 = vector.broadcast %broadcast_in_dim3A_301 : f32 to vector<16xf32>
    %broadcast_in_dim3A_303 = arith.constant 0 : i32
    %broadcast_in_dim3A_304 = vector.broadcast %broadcast_in_dim3A_303 : i32 to vector<16xi32>
    %while3A_305 = arith.constant 0 : i32
    %while3A_306 = arith.subi %select_n3A_300, %while3A_305 : i32
    %while3A_307 = arith.addi %while3A_305, %while3A_306 : i32
    %while3A_308 = arith.constant 1 : i32
    %while3A_309 = arith.divsi %while3A_306, %while3A_308 : i32
    %while3A_310 = arith.muli %while3A_309, %while3A_308 : i32
    %while3A_311 = arith.addi %while3A_305, %while3A_310 : i32
    %while3A_312 = arith.constant 1 : i32
    %while3A_313:2 = scf.for %while3A_347 = %while3A_305 to %while3A_311 step %while3A_312 iter_args(%while3A_348 = %broadcast_in_dim3A_302, %while3A_349 = %broadcast_in_dim3A_304) -> (vector<16xf32>, vector<16xi32>)  : i32 {
      %mul3A_350 = arith.constant 16 : i32
      %mul3A_351 = arith.muli %while3A_347, %mul3A_350 : i32
      %get3A = arith.index_cast %mul3A_351 : i32 to index
      %get3A_352 = tpu.vector_load %arg7[%get3A] {strides = array<i32>} : memref<4112xi32, #tpu.memory_space<vmem>>, vector<16xi32>,
      %add3A_353 = vector.broadcast %mul3A_351 : i32 to vector<16xi32>
      %add3A_354 = arith.addi %iota3A, %add3A_353 : vector<16xi32>
      %lt3A = vector.broadcast %scan3A_271 : i32 to vector<16xi32>
      %lt3A_355 = arith.cmpi slt, %add3A_354, %lt3A : vector<16xi32>
      %jit3A_356 = arith.constant 0 : i32
      %broadcast_in_dim3A_357 = vector.broadcast %jit3A_356 : i32 to vector<16xi32>
      %select_n3A_358 = arith.select %lt3A_355, %get3A_352, %broadcast_in_dim3A_357 : vector<16xi1>, vector<16xi32>
      %gather3A = tpu.vector_load_idx %arg6[%select_n3A_358] : memref<4096xf32, #tpu.memory_space<vmem>>[vector<16xi32>], vector<16xf32>,
      %jit3A_359 = arith.constant 0xFF800000 : f32
      %broadcast_in_dim3A_360 = vector.broadcast %jit3A_359 : f32 to vector<16xf32>
      %select_n3A_361 = arith.select %lt3A_355, %gather3A, %broadcast_in_dim3A_360 : vector<16xi1>, vector<16xf32>
      %masked_sort3A_362 = arith.constant dense<true> : vector<16xi1>
      %masked_sort3A_363, %masked_sort3A_364, %masked_sort3A_365 = tpu.sort %select_n3A_361, %select_n3A_358 masked %masked_sort3A_362 {descending = true} : (vector<16xf32>, vector<16xi32>, vector<16xi1>) -> (vector<16xi1>, vector<16xf32>, vector<16xi32>)
      %ge3A = arith.cmpf oge, %while3A_348, %masked_sort3A_364 : vector<16xf32>
      %max3A = arith.maximumf %while3A_348, %masked_sort3A_364 : vector<16xf32>
      %select_n3A_366 = arith.select %ge3A, %while3A_349, %masked_sort3A_365 : vector<16xi1>, vector<16xi32>
      %masked_sort3A_367 = arith.constant dense<true> : vector<16xi1>
      %masked_sort3A_368, %masked_sort3A_369, %masked_sort3A_370 = tpu.sort %max3A, %select_n3A_366 masked %masked_sort3A_367 : (vector<16xf32>, vector<16xi32>, vector<16xi1>) -> (vector<16xi1>, vector<16xf32>, vector<16xi32>)
      scf.yield %masked_sort3A_369, %masked_sort3A_370 : vector<16xf32>, vector<16xi32>
    }
    %while3A_314 = arith.constant 1 : i32
    %while3A_315:2 = scf.for %while3A_347 = %while3A_311 to %while3A_307 step %while3A_314 iter_args(%while3A_348 = %while3A_313#0, %while3A_349 = %while3A_313#1) -> (vector<16xf32>, vector<16xi32>)  : i32 {
      %mul3A_350 = arith.constant 16 : i32
      %mul3A_351 = arith.muli %while3A_347, %mul3A_350 : i32
      %get3A = arith.index_cast %mul3A_351 : i32 to index
      %get3A_352 = tpu.vector_load %arg7[%get3A] {strides = array<i32>} : memref<4112xi32, #tpu.memory_space<vmem>>, vector<16xi32>,
      %add3A_353 = vector.broadcast %mul3A_351 : i32 to vector<16xi32>
      %add3A_354 = arith.addi %iota3A, %add3A_353 : vector<16xi32>
      %lt3A = vector.broadcast %scan3A_271 : i32 to vector<16xi32>
      %lt3A_355 = arith.cmpi slt, %add3A_354, %lt3A : vector<16xi32>
      %jit3A_356 = arith.constant 0 : i32
      %broadcast_in_dim3A_357 = vector.broadcast %jit3A_356 : i32 to vector<16xi32>
      %select_n3A_358 = arith.select %lt3A_355, %get3A_352, %broadcast_in_dim3A_357 : vector<16xi1>, vector<16xi32>
      %gather3A = tpu.vector_load_idx %arg6[%select_n3A_358] : memref<4096xf32, #tpu.memory_space<vmem>>[vector<16xi32>], vector<16xf32>,
      %jit3A_359 = arith.constant 0xFF800000 : f32
      %broadcast_in_dim3A_360 = vector.broadcast %jit3A_359 : f32 to vector<16xf32>
      %select_n3A_361 = arith.select %lt3A_355, %gather3A, %broadcast_in_dim3A_360 : vector<16xi1>, vector<16xf32>
      %masked_sort3A_362 = arith.constant dense<true> : vector<16xi1>
      %masked_sort3A_363, %masked_sort3A_364, %masked_sort3A_365 = tpu.sort %select_n3A_361, %select_n3A_358 masked %masked_sort3A_362 {descending = true} : (vector<16xf32>, vector<16xi32>, vector<16xi1>) -> (vector<16xi1>, vector<16xf32>, vector<16xi32>)
      %ge3A = arith.cmpf oge, %while3A_348, %masked_sort3A_364 : vector<16xf32>
      %max3A = arith.maximumf %while3A_348, %masked_sort3A_364 : vector<16xf32>
      %select_n3A_366 = arith.select %ge3A, %while3A_349, %masked_sort3A_365 : vector<16xi1>, vector<16xi32>
      %masked_sort3A_367 = arith.constant dense<true> : vector<16xi1>
      %masked_sort3A_368, %masked_sort3A_369, %masked_sort3A_370 = tpu.sort %max3A, %select_n3A_366 masked %masked_sort3A_367 : (vector<16xf32>, vector<16xi32>, vector<16xi1>) -> (vector<16xi1>, vector<16xf32>, vector<16xi32>)
      scf.yield %masked_sort3A_369, %masked_sort3A_370 : vector<16xf32>, vector<16xi32>
    }
    %rev3A_316 = arith.constant 15 : i32
    %rev3A_317 = vector.broadcast %rev3A_316 : i32 to vector<16xi32>
    %rev3A_318 = tpu.iota {dimensions = array<i32: 0>} : vector<16xi32>
    %rev3A_319 = arith.subi %rev3A_317, %rev3A_318 : vector<16xi32>
    %rev3A_320 = tpu.dynamic_gather %while3A_315#1[%rev3A_319] in [0] : vector<16xi32>, vector<16xi32> -> vector<16xi32>
    %mul3A_321 = arith.constant 4096 : i32
    %mul3A_322 = arith.muli %add3A_248, %mul3A_321 : i32
    %add3A_323 = vector.broadcast %mul3A_322 : i32 to vector<16xi32>
    %add3A_324 = arith.addi %rev3A_320, %add3A_323 : vector<16xi32>
    %swap3A_325 = arith.constant 48 : index
    %swap3A_326 = tpu.vector_load %arg8[%swap3A_325] {strides = array<i32>} : memref<64xi32, #tpu.memory_space<vmem>>, vector<16xi32>,
    tpu.vector_store %arg8[%swap3A_325], %add3A_324 {strides = array<i32>} : memref<64xi32, #tpu.memory_space<vmem>>, vector<16xi32>,
    %dma_start3A_327 = arith.constant 0 : i32
    %dma_start3A_328 = tpu.memref_slice %arg3[%dma_start3A_327] : memref<524288xf32, #tpu.memory_space<hbm>> -> memref<524288xf32, #tpu.memory_space<hbm>>
    tpu.enqueue_indirect_dma source(%dma_start3A_328 : memref<524288xf32, #tpu.memory_space<hbm>>) target(%arg9 : memref<64xf32, #tpu.memory_space<vmem>>) offsets(%arg8 : memref<64xi32, #tpu.memory_space<vmem>>) semaphore(%arg12 : memref<!tpu.dma_semaphore, #tpu.memory_space<semaphore_mem>>)
    %dma_wait3A_329 = arith.constant 0 : i32
    %dma_wait3A_330 = tpu.memref_slice %arg3[%dma_wait3A_329] : memref<524288xf32, #tpu.memory_space<hbm>> -> memref<524288xf32, #tpu.memory_space<hbm>>
    tpu.wait_indirect_dma semaphore(%arg12 : memref<!tpu.dma_semaphore, #tpu.memory_space<semaphore_mem>>) src(%dma_wait3A_330 : memref<524288xf32, #tpu.memory_space<hbm>>) dst(%arg9 : memref<64xf32, #tpu.memory_space<vmem>>)
    %add3A_331 = arith.constant 0 : i32
    %add3A_332 = arith.addi %mul3A_2, %add3A_331 : i32
    %mul3A_333 = arith.constant 8 : i32
    %mul3A_334 = arith.muli %add3A_332, %mul3A_333 : i32
    "tpu.region"() ({
      %run_scoped3A = tpu.sem_alloc : memref<!tpu.dma_semaphore, #tpu.memory_space<semaphore_mem>>
      %dma_start3A_347 = arith.constant 0 : i32
      %dma_start3A_348 = tpu.memref_slice %arg9[%dma_start3A_347] : memref<64xf32, #tpu.memory_space<vmem>> -> memref<8xf32, #tpu.memory_space<vmem>>
      %dma_start3A_349 = tpu.memref_slice %arg4[%mul3A_334] : memref<1024xf32, #tpu.memory_space<hbm>> -> memref<8xf32, #tpu.memory_space<hbm>>
      %dma_start3A_350 = tpu.memref_slice %arg4[%mul3A_334] : memref<1024xf32, #tpu.memory_space<hbm>> -> memref<8xf32, #tpu.memory_space<hbm>>
      %dma_start3A_351 = arith.constant 0 : i32
      %dma_start3A_352 = tpu.memref_slice %arg9[%dma_start3A_351] : memref<64xf32, #tpu.memory_space<vmem>> -> memref<8xf32, #tpu.memory_space<vmem>>
      tpu.enqueue_dma source(%dma_start3A_352 : memref<8xf32, #tpu.memory_space<vmem>>) target(%dma_start3A_350 : memref<8xf32, #tpu.memory_space<hbm>>) target_semaphore(%run_scoped3A : memref<!tpu.dma_semaphore, #tpu.memory_space<semaphore_mem>>)
      %dma_wait3A_353 = arith.constant 0 : i32
      %dma_wait3A_354 = tpu.memref_slice %arg9[%dma_wait3A_353] : memref<64xf32, #tpu.memory_space<vmem>> -> memref<8xf32, #tpu.memory_space<vmem>>
      %dma_wait3A_355 = tpu.memref_slice %arg4[%mul3A_334] : memref<1024xf32, #tpu.memory_space<hbm>> -> memref<8xf32, #tpu.memory_space<hbm>>
      %dma_wait3A_356 = tpu.memref_slice %arg4[%mul3A_334] : memref<1024xf32, #tpu.memory_space<hbm>> -> memref<8xf32, #tpu.memory_space<hbm>>
      %dma_wait3A_357 = arith.constant 0 : i32
      %dma_wait3A_358 = tpu.memref_slice %arg9[%dma_wait3A_357] : memref<64xf32, #tpu.memory_space<vmem>> -> memref<8xf32, #tpu.memory_space<vmem>>
      tpu.wait_dma2 semaphore(%run_scoped3A : memref<!tpu.dma_semaphore, #tpu.memory_space<semaphore_mem>>) src(%dma_wait3A_358 : memref<8xf32, #tpu.memory_space<vmem>>) dst(%dma_wait3A_356 : memref<8xf32, #tpu.memory_space<hbm>>)
      tpu.yield
    }) : () -> ()
    %add3A_335 = arith.constant 1 : i32
    %add3A_336 = arith.addi %mul3A_2, %add3A_335 : i32
    %mul3A_337 = arith.constant 8 : i32
    %mul3A_338 = arith.muli %add3A_336, %mul3A_337 : i32
    "tpu.region"() ({
      %run_scoped3A = tpu.sem_alloc : memref<!tpu.dma_semaphore, #tpu.memory_space<semaphore_mem>>
      %dma_start3A_347 = arith.constant 16 : i32
      %dma_start3A_348 = tpu.memref_slice %arg9[%dma_start3A_347] : memref<64xf32, #tpu.memory_space<vmem>> -> memref<8xf32, #tpu.memory_space<vmem>>
      %dma_start3A_349 = tpu.memref_slice %arg4[%mul3A_338] : memref<1024xf32, #tpu.memory_space<hbm>> -> memref<8xf32, #tpu.memory_space<hbm>>
      %dma_start3A_350 = tpu.memref_slice %arg4[%mul3A_338] : memref<1024xf32, #tpu.memory_space<hbm>> -> memref<8xf32, #tpu.memory_space<hbm>>
      %dma_start3A_351 = arith.constant 16 : i32
      %dma_start3A_352 = tpu.memref_slice %arg9[%dma_start3A_351] : memref<64xf32, #tpu.memory_space<vmem>> -> memref<8xf32, #tpu.memory_space<vmem>>
      tpu.enqueue_dma source(%dma_start3A_352 : memref<8xf32, #tpu.memory_space<vmem>>) target(%dma_start3A_350 : memref<8xf32, #tpu.memory_space<hbm>>) target_semaphore(%run_scoped3A : memref<!tpu.dma_semaphore, #tpu.memory_space<semaphore_mem>>)
      %dma_wait3A_353 = arith.constant 16 : i32
      %dma_wait3A_354 = tpu.memref_slice %arg9[%dma_wait3A_353] : memref<64xf32, #tpu.memory_space<vmem>> -> memref<8xf32, #tpu.memory_space<vmem>>
      %dma_wait3A_355 = tpu.memref_slice %arg4[%mul3A_338] : memref<1024xf32, #tpu.memory_space<hbm>> -> memref<8xf32, #tpu.memory_space<hbm>>
      %dma_wait3A_356 = tpu.memref_slice %arg4[%mul3A_338] : memref<1024xf32, #tpu.memory_space<hbm>> -> memref<8xf32, #tpu.memory_space<hbm>>
      %dma_wait3A_357 = arith.constant 16 : i32
      %dma_wait3A_358 = tpu.memref_slice %arg9[%dma_wait3A_357] : memref<64xf32, #tpu.memory_space<vmem>> -> memref<8xf32, #tpu.memory_space<vmem>>
      tpu.wait_dma2 semaphore(%run_scoped3A : memref<!tpu.dma_semaphore, #tpu.memory_space<semaphore_mem>>) src(%dma_wait3A_358 : memref<8xf32, #tpu.memory_space<vmem>>) dst(%dma_wait3A_356 : memref<8xf32, #tpu.memory_space<hbm>>)
      tpu.yield
    }) : () -> ()
    %add3A_339 = arith.constant 2 : i32
    %add3A_340 = arith.addi %mul3A_2, %add3A_339 : i32
    %mul3A_341 = arith.constant 8 : i32
    %mul3A_342 = arith.muli %add3A_340, %mul3A_341 : i32
    "tpu.region"() ({
      %run_scoped3A = tpu.sem_alloc : memref<!tpu.dma_semaphore, #tpu.memory_space<semaphore_mem>>
      %dma_start3A_347 = arith.constant 32 : i32
      %dma_start3A_348 = tpu.memref_slice %arg9[%dma_start3A_347] : memref<64xf32, #tpu.memory_space<vmem>> -> memref<8xf32, #tpu.memory_space<vmem>>
      %dma_start3A_349 = tpu.memref_slice %arg4[%mul3A_342] : memref<1024xf32, #tpu.memory_space<hbm>> -> memref<8xf32, #tpu.memory_space<hbm>>
      %dma_start3A_350 = tpu.memref_slice %arg4[%mul3A_342] : memref<1024xf32, #tpu.memory_space<hbm>> -> memref<8xf32, #tpu.memory_space<hbm>>
      %dma_start3A_351 = arith.constant 32 : i32
      %dma_start3A_352 = tpu.memref_slice %arg9[%dma_start3A_351] : memref<64xf32, #tpu.memory_space<vmem>> -> memref<8xf32, #tpu.memory_space<vmem>>
      tpu.enqueue_dma source(%dma_start3A_352 : memref<8xf32, #tpu.memory_space<vmem>>) target(%dma_start3A_350 : memref<8xf32, #tpu.memory_space<hbm>>) target_semaphore(%run_scoped3A : memref<!tpu.dma_semaphore, #tpu.memory_space<semaphore_mem>>)
      %dma_wait3A_353 = arith.constant 32 : i32
      %dma_wait3A_354 = tpu.memref_slice %arg9[%dma_wait3A_353] : memref<64xf32, #tpu.memory_space<vmem>> -> memref<8xf32, #tpu.memory_space<vmem>>
      %dma_wait3A_355 = tpu.memref_slice %arg4[%mul3A_342] : memref<1024xf32, #tpu.memory_space<hbm>> -> memref<8xf32, #tpu.memory_space<hbm>>
      %dma_wait3A_356 = tpu.memref_slice %arg4[%mul3A_342] : memref<1024xf32, #tpu.memory_space<hbm>> -> memref<8xf32, #tpu.memory_space<hbm>>
      %dma_wait3A_357 = arith.constant 32 : i32
      %dma_wait3A_358 = tpu.memref_slice %arg9[%dma_wait3A_357] : memref<64xf32, #tpu.memory_space<vmem>> -> memref<8xf32, #tpu.memory_space<vmem>>
      tpu.wait_dma2 semaphore(%run_scoped3A : memref<!tpu.dma_semaphore, #tpu.memory_space<semaphore_mem>>) src(%dma_wait3A_358 : memref<8xf32, #tpu.memory_space<vmem>>) dst(%dma_wait3A_356 : memref<8xf32, #tpu.memory_space<hbm>>)
      tpu.yield
    }) : () -> ()
    %add3A_343 = arith.constant 3 : i32
    %add3A_344 = arith.addi %mul3A_2, %add3A_343 : i32
    %mul3A_345 = arith.constant 8 : i32
    %mul3A_346 = arith.muli %add3A_344, %mul3A_345 : i32
    "tpu.region"() ({
      %run_scoped3A = tpu.sem_alloc : memref<!tpu.dma_semaphore, #tpu.memory_space<semaphore_mem>>
      %dma_start3A_347 = arith.constant 48 : i32
      %dma_start3A_348 = tpu.memref_slice %arg9[%dma_start3A_347] : memref<64xf32, #tpu.memory_space<vmem>> -> memref<8xf32, #tpu.memory_space<vmem>>
      %dma_start3A_349 = tpu.memref_slice %arg4[%mul3A_346] : memref<1024xf32, #tpu.memory_space<hbm>> -> memref<8xf32, #tpu.memory_space<hbm>>
      %dma_start3A_350 = tpu.memref_slice %arg4[%mul3A_346] : memref<1024xf32, #tpu.memory_space<hbm>> -> memref<8xf32, #tpu.memory_space<hbm>>
      %dma_start3A_351 = arith.constant 48 : i32
      %dma_start3A_352 = tpu.memref_slice %arg9[%dma_start3A_351] : memref<64xf32, #tpu.memory_space<vmem>> -> memref<8xf32, #tpu.memory_space<vmem>>
      tpu.enqueue_dma source(%dma_start3A_352 : memref<8xf32, #tpu.memory_space<vmem>>) target(%dma_start3A_350 : memref<8xf32, #tpu.memory_space<hbm>>) target_semaphore(%run_scoped3A : memref<!tpu.dma_semaphore, #tpu.memory_space<semaphore_mem>>)
      %dma_wait3A_353 = arith.constant 48 : i32
      %dma_wait3A_354 = tpu.memref_slice %arg9[%dma_wait3A_353] : memref<64xf32, #tpu.memory_space<vmem>> -> memref<8xf32, #tpu.memory_space<vmem>>
      %dma_wait3A_355 = tpu.memref_slice %arg4[%mul3A_346] : memref<1024xf32, #tpu.memory_space<hbm>> -> memref<8xf32, #tpu.memory_space<hbm>>
      %dma_wait3A_356 = tpu.memref_slice %arg4[%mul3A_346] : memref<1024xf32, #tpu.memory_space<hbm>> -> memref<8xf32, #tpu.memory_space<hbm>>
      %dma_wait3A_357 = arith.constant 48 : i32
      %dma_wait3A_358 = tpu.memref_slice %arg9[%dma_wait3A_357] : memref<64xf32, #tpu.memory_space<vmem>> -> memref<8xf32, #tpu.memory_space<vmem>>
      tpu.wait_dma2 semaphore(%run_scoped3A : memref<!tpu.dma_semaphore, #tpu.memory_space<semaphore_mem>>) src(%dma_wait3A_358 : memref<8xf32, #tpu.memory_space<vmem>>) dst(%dma_wait3A_356 : memref<8xf32, #tpu.memory_space<hbm>>)
      tpu.yield
    }) : () -> ()
    return
  }
}

module attributes {stable_mosaic.version = 14 : i64} {
  func.func @_mm_body(%arg0: i32, %arg1: memref<128x4096xf32, #tpu.memory_space<vmem>>, %arg2: memref<512x4096xf32, #tpu.memory_space<vmem>>, %arg3: memref<512xf32, #tpu.memory_space<vmem>>, %arg4: memref<128x512xf32, #tpu.memory_space<vmem>>) attributes {dimension_semantics = [#tpu.dimension_semantics<arbitrary>], iteration_bounds = array<i64: 8>, scalar_prefetch = 0 : i64, scratch_operands = 0 : i64, tpu.core_type = #tpu.core_type<tc>, window_params = [{pipeline_mode = #tpu.pipeline_mode<synchronous>, transform_indices = @transform_0, window_bounds = array<i64: 128, 4096>}, {transform_indices = @transform_1, window_bounds = array<i64: 512, 4096>}, {transform_indices = @transform_2, window_bounds = array<i64: 512>}, {transform_indices = @transform_3, window_bounds = array<i64: 128, 512>}]} {
    %get3A = arith.constant 0 : index
    %get3A_0 = arith.constant 0 : index
    %get3A_1 = vector.load %arg1[%get3A, %get3A_0] : memref<128x4096xf32, #tpu.memory_space<vmem>>, vector<128x4096xf32>
    %get3A_2 = arith.constant 0 : index
    %get3A_3 = arith.constant 0 : index
    %get3A_4 = vector.load %arg2[%get3A_2, %get3A_3] : memref<512x4096xf32, #tpu.memory_space<vmem>>, vector<512x4096xf32>
    %dot_general3A = arith.constant dense<0.000000e+00> : vector<128x512xf32>
    %dot_general3A_5 = tpu.matmul %get3A_1, %get3A_4, %dot_general3A {dimension_numbers = #tpu.dot_dimension_numbers<[1], [1], [0], [0], [0, 0, 1, 0], [], []>, transpose_lhs_hint = false} : vector<128x4096xf32>, vector<512x4096xf32>, vector<128x512xf32> -> vector<128x512xf32>
    %get3A_6 = arith.constant 0 : index
    %get3A_7 = vector.load %arg3[%get3A_6] : memref<512xf32, #tpu.memory_space<vmem>>, vector<512xf32>
    %reshape3A = vector.shape_cast %get3A_7 : vector<512xf32> to vector<1x512xf32>
    %add3A = vector.broadcast %reshape3A : vector<1x512xf32> to vector<128x512xf32>
    %add3A_8 = arith.addf %dot_general3A_5, %add3A : vector<128x512xf32>
    %swap3A = arith.constant 0 : index
    %swap3A_9 = arith.constant 0 : index
    %swap3A_10 = vector.load %arg4[%swap3A, %swap3A_9] : memref<128x512xf32, #tpu.memory_space<vmem>>, vector<128x512xf32>
    tpu.vector_store %arg4[%swap3A, %swap3A_9], %add3A_8 {strides = array<i32>} : memref<128x512xf32, #tpu.memory_space<vmem>>, vector<128x512xf32>,
    return
  }
  func.func @transform_0(%arg0: i32) -> (i32, i32) {
    %c0_i32 = arith.constant 0 : i32
    %c0_i32_0 = arith.constant 0 : i32
    %c0_i32_1 = arith.constant 0 : i32
    return %c0_i32, %c0_i32_0 : i32, i32
  }
  func.func @transform_1(%arg0: i32) -> (i32, i32) {
    %c0_i32 = arith.constant 0 : i32
    %c0_i32_0 = arith.constant 0 : i32
    return %arg0, %c0_i32 : i32, i32
  }
  func.func @transform_2(%arg0: i32) -> i32 {
    %c0_i32 = arith.constant 0 : i32
    return %arg0 : i32
  }
  func.func @transform_3(%arg0: i32) -> (i32, i32) {
    %c0_i32 = arith.constant 0 : i32
    %c0_i32_0 = arith.constant 0 : i32
    return %c0_i32, %arg0 : i32, i32
  }
}

</mosaic_0001>

<sc_bundles>
// kernel: kernel.4.cloned.1.call-start
scs
__scs_entry_jumppad:
0x0: {  	(pc) =	sbr.rel $0x88, $3  }
0x1: {  	(tag) =	ssettag $0x0;
	lr =	simm.s32 $0x1  }
0x2: {  	[smem:$0x3F9E] =	sst lr;
	_ =	strace $0xD0000000  }
0x3: {  	_ = 	snop  }
0x4: {  	_ = 	snop  }
0x5: {  	_ = 	snop  }
0x6: {  	_ = 	snop  }
0x7: {  	_ = 	snop  }
__scs_overlays_trampoline_lowered:
0x8: {  	[smem:$0x3FAD] =	sst s0  }
0x9: {  	[smem:$0x3FAE] =	sst s1  }
0xa: {  	[smem:$0x3FAF] =	sst s2  }
0xb: {  	[smem:$0x3FB0] =	sst s3  }
0xc: {  	[smem:$0x3FB1] =	sst s4  }
0xd: {  	[smem:$0x3FB2] =	sst s5  }
0xe: {  	[smem:$0x3FB3] =	sst s6  }
0xf: {  	[smem:$0x3FB4] =	sst s7  }
0x10: {  	[smem:$0x3FB5] =	sst s8  }
0x11: {  	[smem:$0x3FB6] =	sst s9;
	s0 =	simm.s32 @!p0 $0x0  }
0x12: {  	s1 =	sld [smem:$0x3F9C];
	s0 =	simm.s32 @p0 $0x1  }
0x13: {  	[smem:$0x3FB7] =	sst s0;
	s0 =	simm.s32 @!p1 $0x0  }
0x14: {  	s2 =	sld [smem:$0x3F9B];
	s0 =	simm.s32 @p1 $0x1  }
0x15: {  	[smem:$0x3FB8] =	sst s0;
	s0 =	simm.s32 @!p2 $0x0  }
0x16: {  	s3 =	sld [smem:$0x3FDB];
	s0 =	simm.s32 @p2 $0x1  }
0x17: {  	s4 =	simm.s32 $0x1BF5;
	[smem:$0x3FBA] =	sst s0  }
0x18: {  	s0 =	sld [smem:$0x3F9D];
	_ =	swait.ge [sflag:s4], $0x0  }
0x19: {  	s7 =	sld [smem:$0x3F9E]  }
0x1a: {  	s8 =	sadd.s32 $0xFFFFE003, lr  }
0x1b: {  	s9 =	sadd.s32 $0xFFFFFEF7, lr;
	s5 =	simm.s32 $0xFFFFFFFF;
	p2 =	slt.u32 s8, $0xFFFFF086  }
0x1c: {  	p1 =	slt.u32 s9, $0xF7A;
	s5 =	simm.s32 @!p2 $0x0  }
0x1d: {  	s5 =	simm.s32 @p1 $0x1;
	p0 =	seq.s32 s7, s2  }
0x1e: {  	s7 =	smul.u32 @!p0 $0xF7A, s2;
	p2 =	seq.s32 @!p0 s5, $0x0  }
0x1f: {  	s9 =	smul.u32 $0xF7A, s1;
	s8 =	simm.s32 @!p0 $0x1BF5;
	p2 =	por !p2, p0  }
0x20: {  	[sflag:s8] =	ssyncset.s32 @!p0 $0xFFFFF086;
	s6 =	sadd.s32 @!p0 s3, s7;
	s7 =	simm.s32 @!p0 $0x108  }
0x21: {  	s3 =	sadd.s32 s3, s9;
	s6 =	sadd.s32 @!p0 $0x88, s6;
	s7 =	simm.s32 @p2 $0x1082  }
0x22: {  	[simem:s7], [sflag:s8] =	dma.local @!p0 [hbm:s6], $0xF7A  }
0x23: {  	s9 =	sor.u32 $0xD0000000, s2;
	s6 =	simm.s32 $0x108;
	_ =	swait.ge @!p0 [sflag:s8], $0x0  }
0x24: {  	s3 =	sadd.s32 $0x88, s3;
	s6 =	simm.s32 @!p1 $0x1082;
	[sflag:s4] =	ssyncset.s32 $0xFFFFF086  }
0x25: {  	[simem:s6], [sflag:s4] =	dma.local [hbm:s3], $0xF7A  }
0x26: {  	[smem:$0x3F9E] =	sst s1;
	(tag) =	ssettag s2;
	_ =	strace s9  }
0x27: {  	s1 =	sld [smem:$0x3FAE]  }
0x28: {  	s2 =	sld [smem:$0x3FAF]  }
0x29: {  	s4 =	sld [smem:$0x3FB1]  }
0x2a: {  	p0 =	seq.s32 s5, $0x0;
	s5 =	sld [smem:$0x3FB2]  }
0x2b: {  	s6 =	sld [smem:$0x3FB3]  }
0x2c: {  	s7 =	sld [smem:$0x3FB4]  }
0x2d: {  	s3 =	simm.s32 $0x108;
	s8 =	sld [smem:$0x3FB5]  }
0x2e: {  	s3 =	simm.s32 @!p0 $0x1082;
	s9 =	sld [smem:$0x3FB6]  }
0x2f: {  	lr =	sadd.s32 s0, s3;
	s0 =	sld [smem:$0x3FAD]  }
0x30: {  	s3 =	sld [smem:$0x3FB0]  }
0x31: {  	[smem:$0x3FB9] =	sst s10  }
0x32: {  	s10 =	sld [smem:$0x3FB7];
	_ =	sdelay $0x3  }
0x33: {  	p0 =	seq.s32 s10, $0x1;
	s10 =	sld [smem:$0x3FB9];
	_ =	sdelay $0x3  }
0x34: {  	[smem:$0x3FB9] =	sst s10  }
0x35: {  	s10 =	sld [smem:$0x3FB8];
	_ =	sdelay $0x3  }
0x36: {  	p1 =	seq.s32 s10, $0x1;
	s10 =	sld [smem:$0x3FB9];
	_ =	sdelay $0x3  }
0x37: {  	[smem:$0x3FB9] =	sst s10  }
0x38: {  	s10 =	sld [smem:$0x3FBA]  }
0x39: {  	_ = 	snop;
	(pc) =	sbr.ind lr, $3  }
0x3a: {  	_ = 	snop  }
0x3b: {  	_ = 	snop  }
0x3c: {  	p2 =	seq.s32 s10, $0x1;
	s10 =	sld [smem:$0x3FB9]  }
0x3d: {  	_ =	shalt  }
0x3e: {  	_ =	shalt  }
0x3f: {  	_ =	shalt  }
0x40: {  	_ =	shalt  }
0x41: {  	_ =	shalt  }
0x42: {  	_ =	shalt  }
0x43: {  	_ =	shalt  }
0x44: {  	_ =	shalt  }
0x45: {  	_ =	shalt  }
0x46: {  	_ =	shalt  }
0x47: {  	_ =	shalt  }
0x48: {  	_ =	shalt  }
0x49: {  	_ =	shalt  }
0x4a: {  	_ =	shalt  }
0x4b: {  	_ =	shalt  }
0x4c: {  	_ =	shalt  }
0x4d: {  	_ =	shalt  }
0x4e: {  	_ =	shalt  }
0x4f: {  	_ =	shalt  }
0x50: {  	_ =	shalt  }
0x51: {  	_ =	shalt  }
0x52: {  	_ =	shalt  }
0x53: {  	_ =	shalt  }
0x54: {  	_ =	shalt  }
0x55: {  	_ =	shalt  }
0x56: {  	_ =	shalt  }
0x57: {  	_ =	shalt  }
0x58: {  	_ =	shalt  }
0x59: {  	_ =	shalt  }
0x5a: {  	_ =	shalt  }
0x5b: {  	_ =	shalt  }
0x5c: {  	_ =	shalt  }
0x5d: {  	_ =	shalt  }
0x5e: {  	_ =	shalt  }
0x5f: {  	_ =	shalt  }
0x60: {  	_ =	shalt  }
0x61: {  	_ =	shalt  }
0x62: {  	_ =	shalt  }
0x63: {  	_ =	shalt  }
0x64: {  	_ =	shalt  }
0x65: {  	_ =	shalt  }
0x66: {  	_ =	shalt  }
0x67: {  	_ =	shalt  }
0x68: {  	_ =	shalt  }
0x69: {  	_ =	shalt  }
0x6a: {  	_ =	shalt  }
0x6b: {  	_ =	shalt  }
0x6c: {  	_ =	shalt  }
0x6d: {  	_ =	shalt  }
0x6e: {  	_ =	shalt  }
0x6f: {  	_ =	shalt  }
0x70: {  	_ =	shalt  }
0x71: {  	_ =	shalt  }
0x72: {  	_ =	shalt  }
0x73: {  	_ =	shalt  }
0x74: {  	_ =	shalt  }
0x75: {  	_ =	shalt  }
0x76: {  	_ =	shalt  }
0x77: {  	_ =	shalt  }
0x78: {  	_ =	shalt  }
0x79: {  	_ =	shalt  }
0x7a: {  	_ =	shalt  }
0x7b: {  	_ =	shalt  }
0x7c: {  	_ =	shalt  }
0x7d: {  	_ =	shalt  }
0x7e: {  	_ =	shalt  }
0x7f: {  	_ =	shalt  }
0x80: {  	_ =	shalt  }
0x81: {  	_ =	shalt  }
0x82: {  	_ =	shalt  }
0x83: {  	_ =	shalt  }
0x84: {  	_ =	shalt  }
0x85: {  	_ =	shalt  }
0x86: {  	_ =	shalt  }
0x87: {  	_ =	shalt  }
.Lfunc_end0:
.L_simem_size_0:
called_computation_lowered:
.L_overlay_start_0:
0x88: {  	s2 =	sld [smem:$0x3FD9]  }
0x89: {  	s3 =	sld [smem:$0x3FFE];
	_ =	sdelay $0x1  }
0x8a: {  	s1 =	srdreg.scid  }
0x8b: {  	s0 =	sand.u32 $0x1, s1  }
0x8c: {  	s17 =	sshll.u32 s0, $0xA;
	s2 =	sadd.s32 s3, s2  }
0x8d: {  	s2 =	sadd.s32 s2, s17  }
0x8e: {  	[smem:$0x3FC5] =	sst s2  }
0x8f: {  	_ = 	snop  }
0x90: {  	s2 =	sld [smem:$0x3FD0];
	(tm) =	ssettm $0x1  }
0x91: {  	s18 =	sld [smem:$0x3FFB];
	_ =	sdelay $0x3  }
0x92: {  	_ =	strace s18  }
0x93: {  	s3 =	sld [smem:$0x3FFC];
	_ =	sdelay $0x3  }
0x94: {  	_ =	strace s3  }
0x95: {  	s3 =	sld [smem:$0x3FFD];
	_ =	sdelay $0x3  }
0x96: {  	_ =	strace s3  }
0x97: {  	_ =	strace $0x8FFFFFFF  }
0x98: {  	s19 =	sld [smem:$0x3FDB];
	_ =	sdelay $0x1  }
0x99: {  	s4 =	simm.s32 $_scs_section_size  }
0x9a: {  	s5 =	simm.s32 $_size__tile_overlayer_lowered;
	s6 =	simm.s32 $_tile_overlayer_lowered  }
0x9b: {  	s22 =	simm.s32 $0x1BFF;
	s21 =	sshll.u32 s6, $0x1;
	s3 =	sadd.s32 s4, s19  }
0x9c: {  	s7 =	simm.s32 $0x0;
	s20 =	sshll.u32 s5, $0x1;
	s5 =	sadd.s32 s21, s3  }
0x9d: {  	[timem:s7], [sflag:s22] =	dma.local [hbm:s5], s20  }
0x9e: {  	_ =	swait.ge [sflag:s22], s20  }
0x9f: {  	s4 =	ssub.s32 $0x0, s20;
	[sflag:s22] =	ssyncset.done $0x0  }
0xa0: {  	[sflag:s22] =	ssyncadd.s32 s4;
	_ =	sdelay $0x1  }
0xa1: {  	s23 =	simm.s32 $0x1B8B  }
0xa2: {  	_ =	swait.ge [sflag:s23], $0x1  }
0xa3: {  	[sflag:s23] =	ssyncset.done $0x0  }
0xa4: {  	s25 =	simm.s32 $0x1B8E;
	s24 =	sld [smem:$0x3FFE];
	[sflag:s23] =	ssyncadd.s32 $0xFFFFFFFF  }
0xa5: {  	s26 =	simm.s32 $execute0_lowered;
	[smem:$0x3FD2] =	sst s25  }
0xa6: {  	s5 =	sshll.u32 s26, $0x1;
	_ =	strace $0x80000046;
	[dreg:$0x1] =	wrdreg $0xFFFFFFFF  }
0xa7: {  	s28 =	simm.s32 $_size_execute0_lowered;
	s3 =	sadd.s32 s3, s5;
	[dreg:$0x0] =	wrdreg $0x0  }
0xa8: {  	s5 =	sshll.u32 s28, $0x1;
	[dreg:$0x2] =	wrdreg s3  }
0xa9: {  	[dreg:$0x3] =	wrdreg s5  }
0xaa: {  	[dreg:$0x4] =	wrdreg $0xC0  }
0xab: {  	_ =	task [dreg:s7], $0x5FFFF  }
0xac: {  	[dreg:$0x1] =	wrdreg $0xFFFFFFFF  }
0xad: {  	[dreg:$0x0] =	wrdreg $0x60  }
0xae: {  	[dreg:$0x2] =	wrdreg s24  }
0xaf: {  	[dreg:$0x3] =	wrdreg s2  }
0xb0: {  	[dreg:$0x4] =	wrdreg $0x9  }
0xb1: {  	_ =	task.clear_ibuf [dreg:s7], $0x5FFFF;
	_ =	strace $0x90000046  }
0xb2: {  	s29 =	simm.s32 $0x9;
	_ =	strace $0x80000048  }
0xb3: {  	_ =	swait.ge [sflag:s29], $0x1  }
0xb4: {  	[sflag:s29] =	ssyncadd.s32 $0xFFFFFFFF  }
0xb5: {  	_ =	strace $0x90000048  }
0xb6: {  	_ =	sfence  }
0xb7: {  	s30 =	sld [smem:$0x0];
	_ =	sdelay $0x2  }
0xb8: {  	s31 =	sshll.u32 s1, $0xD;
	s1 =	sshrl.u32 s1, $0x2  }
0xb9: {  	s3 =	sand.u32 $0x4000, s31;
	s1 =	sadd.s32 s1, s30  }
0xba: {  	s0 =	sor.u32 s3, s0;
	s1 =	sshll.u32 s1, $0x11  }
0xbb: {  	s0 =	sor.u32 s1, s0  }
0xbc: {  	s0 =	sadd.s32 $0x8F2B, s0  }
0xbd: {  	[sflag:s0] =	ssyncadd.remote.s32 $0x1  }
0xbe: {  	_ =	sfence.sel $0xFFFF  }
0xbf: {  	[dreg:$0x0] =	wrdreg $0xFFFFFFFF;
	(pc) =	sbr.abs _section_cstart, $3  }
0xc0: {  	[dreg:$0x1] =	wrdreg $0xFFFFFFFF  }
0xc1: {  	_ =	task.clear_ibuf [dreg:s7], $0x2FFFF;
	_ =	strace $0x9FFFFFFF  }
0xc2: {  	(tm) =	ssettm $0x7FFFFFFF  }
0xc3: {  	_ =	shalt  }
tec
execute0_lowered:
.L_overlay_start_1:
0x0: {  	(tag) =	ssettag $0x1  }
0x1: {  	s3 =	rddreg [dreg:$0x0]  }
0x2: {  	s11 =	rddreg [dreg:$0x1]  }
0x3: {  	s0 =	rddreg [dreg:$0x2];
	s2 =	simm.s32 $0x0;
	s4 =	srdreg.scid  }
0x4: {  	s1 =	stileid.u32;
	s15 =	simm.s32 $0x2;
	s16 =	simm.s32 $0x40  }
0x5: {  	s17 =	simm.s32 $0x3080;
	s18 =	simm.s32 $0x3100;
	s21 =	simm.s32 $0x3110  }
0x6: {  	s24 =	simm.s32 $0x0;
	[smem:$0x7FF] =	sst s2;
	s4 =	sand.u32 $0x1, s4  }
0x7: {  	s5 =	sshll.u32 s1, $0x1;
	s7 =	sadd.s32 $0x800, s3;
	s3 =	sadd.s32 $0x10800, s3  }
0x8: {  	_ =	strace $0x80000047;
	s6 =	ssub.s32 $0x2, s4;
	s8 =	sor.u32 s4, s5  }
0x9: {  	s28 =	sshrl.u32 s6, $0x1;
	s9 =	sshll.u32 s8, $0x2;
	s29 =	sshll.u32 s8, $0xB  }
0xa: {  	s19 =	sshll.u32 s8, $0xE;
	s14 =	sshllo.u32 s8, $0x2;
	s12 =	ssub.s32 s6, s28  }
0xb: {  	s10 =	sor.u32 $0x1, s9;
	s4 =	sadd.s32 s7, s29;
	s13 =	sor.u32 $0x2, s9  }
0xc: {  	s23 =	sshll.u32 s14, $0xC;
	s8 =	sshll.u32 s14, $0x9;
	v1 =	vmov s19;
	s19 =	simm.s32 $0x3  }
0xd: {  	s30 =	sshll.u32 s10, $0x9;
	s20 =	sshll.u32 s10, $0xC;
	s22 =	sshll.u32 s13, $0xC  }
.Ltmp0:
0xe: {  	s31 =	sshll.u32 s13, $0x9;
	s12 =	smax.u32 s12, $0x1;
	(pc) =	sbr.rel .LBB2_1-.Ltmp0, $4  }
0xf: {  	v0 =	vlaneseq.u32;
	v4 =	vmov s23;
	s23 =	simm.s32 $0x3130;
	s5 =	sadd.s32 s7, s30;
	s6 =	sadd.s32 s7, s31  }
0x10: {  	v5 =	vmul.u32 $0xFFFFFFFF, v0;
	s7 =	sadd.s32 s7, s8;
	s8 =	sadd.s32 s11, s9;
	s9 =	sadd.s32 s11, s10  }
0x11: {  	s10 =	sadd.s32 s11, s13;
	s11 =	sadd.s32 s11, s14;
	s13 =	simm.s32 $0x1  }
0x12: {  	v5 =	vadd.s32 $0xF, v5;
	s14 =	simm.s32 $0x1000;
	v2 =	vmov s20;
	s20 =	simm.s32 $0x4;
	v3 =	vmov s22;
	s22 =	simm.s32 $0x3120  }
.LBB2_45:
0x13: {  	v6 =	vimm.s32 $0x0  }
.LBB2_53:
0x14: {  	v6 =	vperm.xlane v6, v5;
	_ =	sdelay $0x1  }
0x15: {  	v6 =	vadd.s32 v4, v6  }
0x16: {  	[tilespmem:$0x30B0] =	vst v6  }
0x17: {  	[tilespmem:s18], [sflag:$0x3] =	stream.indirect.gather [hbm4b:s3+s16], $0x1, s17, s16, $0xb8;
	[tilespmem:$0x3180] =	vst v63  }
0x18: {  	_ =	swait.ge [sflag:s19], $0x40  }
0x19: {  	[sflag:s19] =	ssyncset.done $0x0  }
0x1a: {  	[sflag:s19] =	ssyncadd.s32 $0xFFFFFFC0  }
0x1b: {  	[hbm4b:s8+s2] =	stream.linear.scatter [tilespmem:s18], [sflag:$0x4], $0x8, $0x38;
	[tilespmem:$0x3180] =	vst v63  }
0x1c: {  	_ =	swait.ge [sflag:s20], $0x8  }
0x1d: {  	[sflag:s20] =	ssyncset.done $0x0  }
0x1e: {  	[sflag:s20] =	ssyncadd.s32 $0xFFFFFFF8  }
0x1f: {  	[hbm4b:s9+s2] =	stream.linear.scatter [tilespmem:s21], [sflag:$0x4], $0x8, $0x38;
	[tilespmem:$0x3180] =	vst v63  }
0x20: {  	_ =	swait.ge [sflag:s20], $0x8  }
0x21: {  	[sflag:s20] =	ssyncset.done $0x0  }
0x22: {  	[sflag:s20] =	ssyncadd.s32 $0xFFFFFFF8  }
0x23: {  	[hbm4b:s10+s2] =	stream.linear.scatter [tilespmem:s22], [sflag:$0x4], $0x8, $0x38;
	[tilespmem:$0x3180] =	vst v63  }
0x24: {  	s24 =	sadd.s32 $0x1, s24;
	_ =	swait.ge [sflag:s20], $0x8  }
0x25: {  	p0 =	sne.s32 s24, s12;
	[sflag:s20] =	ssyncset.done $0x0  }
.Ltmp1:
0x26: {  	[sflag:s20] =	ssyncadd.s32 $0xFFFFFFF8;
	(pc) =	sbr.rel @!p0 .LBB2_54-.Ltmp1, $4  }
0x27: {  	[hbm4b:s11+s2] =	stream.linear.scatter [tilespmem:s23], [sflag:$0x4], $0x8, $0x38;
	[tilespmem:$0x3180] =	vst v63  }
0x28: {  	_ =	swait.ge [sflag:s20], $0x8  }
0x29: {  	[sflag:s20] =	ssyncset.done $0x0  }
0x2a: {  	[sflag:s20] =	ssyncadd.s32 $0xFFFFFFF8  }
.LBB2_1:
0x2b: {  	[tilespmem:s2], [sflag:$0x1] =	stream.linear.gather [hbm4b:s4+s2], $0x1000, $0x38;
	[tilespmem:$0x3180] =	vst v63  }
0x2c: {  	_ =	swait.ge [sflag:s13], $0x1000  }
0x2d: {  	[sflag:s13] =	ssyncset.done $0x0  }
0x2e: {  	s26 =	simm.s32 $0x0;
	[sflag:s13] =	ssyncadd.s32 $0xFFFFF000  }
0x2f: {  	[tilespmem:s14], [sflag:$0x2] =	stream.linear.gather [hbm4b:s5+s2], $0x1000, $0x38;
	[tilespmem:$0x3180] =	vst v63  }
0x30: {  	v6 =	vimm.f32 $-Inf;
	s25 =	simm.s32 $0x40;
	v7 =	vld [tilespmem:s26+$0x0]  }
.LBB2_2:
0x31: {  	p0 =	sne.s32 s25, $0x3FC0  }
.Ltmp2:
0x32: {  	_ = 	snop;
	(pc) =	sbr.rel @p0 .LBB2_2-.Ltmp2, $3  }
0x33: {  	_ =	sdelay $0x1  }
0x34: {  	s26 =	sshra.s32 s25, $0x2;
	s25 =	sadd.s32 $0x40, s25;
	v6 =	vmax.f32 v6, v7  }
0x35: {  	v7 =	vld [tilespmem:s26+$0x0]  }
0x36: {  	_ =	sdelay $0x3  }
0x37: {  	v6 =	vmax.f32 v6, v7  }
0x38: {  	(xrf1) =	vsort.ascd.msk.f32 $0xffff, v6, v0;
	_ =	sdelay $0xa  }
0x39: {  	s26 =	simm.s32 $0x0  }
0x3a: {  	v7 =	vld [tilespmem:s26+$0x0];
	_ =	sdelay $0x1  }
0x3b: {  	v6, _, _ =	vpop (xrf1)  }
0x3c: {  	v6 =	vbroadcast v6, $0x8;
	_ =	sdelay $0x1  }
0x3d: {  	vm0 =	vge.f32 v7, v6  }
0x3e: {  	v7 =	vmpcnt.ones.xlane vm0;
	_ =	sdelay $0x1  }
0x3f: {  	(v2sf) =	vpush v7, $0x0;
	_ =	sdelay $0x5  }
0x40: {  	v8 =	vor.u32 s26, v0  }
0x41: {  	s25 =	simm.s32 $0x10;
	[tilespmem:s26+$0x2000] =	vst.msk vm0, v8  }
0x42: {  	s28 =	simm.s32 $0x20;
	s29 =	simm.s32 $0x10;
	v7 =	vld [tilespmem:s25+$0x0]  }
.LBB2_4:
0x43: {  	p0 =	sne.s32 s28, $0xFF0;
	_ =	sdelay $0x3  }
0x44: {  	vm0 =	vge.f32 v7, v6  }
0x45: {  	v7 =	vmpcnt.ones.xlane vm0  }
0x46: {  	s30 =	spop (v2sf)  }
0x47: {  	v8 =	vor.u32 s25, v0;
	s25 =	smov.u32 s28;
	(v2sf) =	vpush v7, $0x0;
	s26 =	sadd.s32 s26, s30  }
0x48: {  	[tilespmem:s26+$0x2000] =	vst.msk vm0, v8;
	_ =	sdelay $0x2  }
.Ltmp3:
0x49: {  	(pc) =	sbr.rel @p0 .LBB2_4-.Ltmp3, $3  }
0x4a: {  	_ =	sdelay $0x1  }
0x4b: {  	s29 =	sadd.s32 $0x10, s29  }
0x4c: {  	s28 =	sadd.s32 $0x10, s28;
	v7 =	vld [tilespmem:s29+$0x0]  }
0x4d: {  	_ =	sdelay $0x3  }
0x4e: {  	vm0 =	vge.f32 v7, v6  }
0x4f: {  	v6 =	vmpcnt.ones.xlane vm0;
	_ =	sdelay $0x1  }
0x50: {  	(v2sf) =	vpush v6, $0x0;
	_ =	sdelay $0xd  }
0x51: {  	s28 =	spop (v2sf)  }
0x52: {  	s29 =	sadd.s32 s26, s28;
	s30 =	spop (v2sf)  }
0x53: {  	s26 =	sadd.s32 s29, s30  }
0x54: {  	s28 =	sadd.s32 $0xF, s26  }
0x55: {  	s30 =	sand.u32 $0xF, s28  }
0x56: {  	s31 =	sshra.s32 s28, $0x1F;
	p1 =	slt.s32 s28, $0x1;
	p0 =	sne.s32 s30, $0x0  }
0x57: {  	s30 =	sshrl.u32 s31, $0x1C;
	p0 =	por !p1, !p0  }
0x58: {  	s28 =	sadd.s32 s30, s28;
	s30 =	simm.s32 $0x1;
	p0 =	por !p0, !p0  }
0x59: {  	s28 =	sshra.s32 s28, $0x4;
	s30 =	simm.s32 @!p0 $0x0  }
0x5a: {  	s28 =	ssub.s32 s28, s30  }
0x5b: {  	p0 =	slt.s32 s28, $0x1  }
.Ltmp4:
0x5c: {  	_ = 	snop;
	(pc) =	sbr.rel @p0 .LBB2_6-.Ltmp4, $3  }
0x5d: {  	_ =	sdelay $0x1  }
0x5e: {  	v6 =	vor.u32 s25, v0  }
0x5f: {  	[tilespmem:s29+$0x2000] =	vst.msk vm0, v6  }
0x60: {  	p2 =	sne.s32 s28, $0x1  }
.Ltmp5:
0x61: {  	_ = 	snop;
	(pc) =	sbr.rel @!p2 .LBB2_8-.Ltmp5, $3  }
0x62: {  	_ =	sdelay $0x1  }
0x63: {  	s29 =	simm.s32 $0x2000;
	s25 =	simm.s32 $0x0  }
0x64: {  	v8 =	vmov s26;
	v7 =	vimm.f32 $-Inf;
	v6 =	vimm.s32 $0x0;
	s26 =	sadd.s32 $0xFFFFFFFF, s28;
	p0 =	por $0x0, $0x0;
	p1 =	por $0x0, $0x0;
	v9 =	vld [tilespmem:s29+$0x0]  }
0x65: {  	_ =	sdelay $0x1  }
0x66: {  	v10 =	vor.u32 s25, v0  }
0x67: {  	vm0 =	vlt.s32 v10, v8  }
0x68: {  	v10 =	vnsel vm0, $0x0, v9;
	_ =	sdelay $0x4  }
0x69: {  	v9 =	vld.idx.msk [tilespmem:v10+s2+$0x0], $0xffff  }
0x6a: {  	p2 =	sne.s32 s26, $0x1  }
.Ltmp6:
0x6b: {  	_ = 	snop;
	(pc) =	sbr.rel @!p2 .LBB2_10-.Ltmp6, $3  }
0x6c: {  	_ =	sdelay $0x1  }
0x6d: {  	s28 =	simm.s32 $0x2010;
	v11 =	vnsel vm0, $0xFF800000, v9  }
0x6e: {  	s29 =	sadd.s32 $0xFFFFFFFF, s26;
	p0 =	por $0x1, $0x1;
	v9 =	vld [tilespmem:s28+$0x0];
	(xrf1) =	vsort.dscd.msk.f32 $0xffff, v11, v10  }
0x6f: {  	_ = 	snop  }
0x70: {  	s26 =	simm.s32 $0x10  }
0x71: {  	v10 =	vor.u32 s26, v0  }
0x72: {  	vm0 =	vlt.s32 v10, v8  }
0x73: {  	v9 =	vnsel vm0, $0x0, v9;
	_ =	sdelay $0x4  }
0x74: {  	v10 =	vld.idx.msk [tilespmem:v9+s2+$0x0], $0xffff;
	_ =	sdelay $0x1  }
0x75: {  	p2 =	sne.s32 s29, $0x1  }
.Ltmp7:
0x76: {  	_ = 	snop;
	(pc) =	sbr.rel @!p2 .LBB2_13-.Ltmp7, $4  }
0x77: {  	v11, v12, _ =	vpop (xrf1)  }
0x78: {  	s28 =	simm.s32 $0x2020;
	v10 =	vnsel vm0, $0xFF800000, v10;
	vm15 =	vge.f32 v7, v11  }
0x79: {  	(xrf1) =	vsort.dscd.msk.f32 $0xffff, v10, v9;
	v10 =	vmax.f32 v7, v11;
	v11 =	vsel vm15, v6, v12;
	v9 =	vld [tilespmem:s28+$0x0]  }
0x7a: {  	s29 =	sadd.s32 $0xFFFFFFFF, s29;
	p1 =	por $0x1, $0x1;
	(xrf1) =	vsort.ascd.msk.f32 $0xffff, v10, v11  }
.LBB2_12:
0x7b: {  	p2 =	sne.s32 s29, $0x1;
	s26 =	sadd.s32 $0x10, s26  }
0x7c: {  	v10 =	vor.u32 s26, v0  }
0x7d: {  	vm0 =	vlt.s32 v10, v8  }
0x7e: {  	v10 =	vnsel vm0, $0x0, v9;
	_ =	sdelay $0x4  }
0x7f: {  	v9 =	vld.idx.msk [tilespmem:v10+s2+$0x0], $0xffff;
	_ =	sdelay $0x3  }
.Ltmp8:
0x80: {  	v11, v12, _ =	vpop (xrf1);
	(pc) =	sbr.rel @p2 .LBB2_12-.Ltmp8, $4  }
0x81: {  	v13, v14, _ =	vpop (xrf1)  }
0x82: {  	s28 =	sadd.s32 $0x10, s28;
	v15 =	vnsel vm0, $0xFF800000, v9;
	vm0 =	vge.f32 v13, v11  }
0x83: {  	v9 =	vld [tilespmem:s28+$0x0];
	(xrf1) =	vsort.dscd.msk.f32 $0xffff, v15, v10;
	v10 =	vmax.f32 v13, v11;
	v11 =	vsel vm0, v14, v12  }
0x84: {  	s29 =	sadd.s32 $0xFFFFFFFF, s29;
	(xrf1) =	vsort.ascd.msk.f32 $0xffff, v10, v11  }
.LBB2_13:
0x85: {  	_ = 	snop  }
0x86: {  	s26 =	sadd.s32 @p0 $0x10, s26  }
0x87: {  	s25 =	smov.u32 @p0 s26  }
0x88: {  	v10 =	vor.u32 s25, v0  }
0x89: {  	vm0 =	vlt.s32 v10, v8  }
0x8a: {  	v8 =	vnsel vm0, $0x0, v9;
	_ =	sdelay $0x4  }
0x8b: {  	v9 =	vld.idx.msk [tilespmem:v8+s2+$0x0], $0xffff;
	_ =	sdelay $0x1  }
0x8c: {  	v10, v11, _ =	vpop @p0 (xrf1)  }
0x8d: {  	v12, v13, _ =	vpop @p1 (xrf1)  }
0x8e: {  	v12 =	vpsel p1, v12, v7  }
0x8f: {  	v9 =	vnsel vm0, $0xFF800000, v9;
	v13 =	vpsel p1, v13, v6;
	vm0 =	vge.f32 @p0 v12, v10  }
0x90: {  	(xrf1) =	vsort.dscd.msk.f32 $0xffff, v9, v8;
	v8 =	vmax.f32 @p0 v12, v10;
	v9 =	vsel @p0 vm0, v13, v11  }
0x91: {  	(xrf1) =	vsort.ascd.msk.f32 @p0 $0xffff, v8, v9;
	_ =	sdelay $0xc  }
0x92: {  	v8, v9, _ =	vpop (xrf1)  }
0x93: {  	v10, v11, _ =	vpop @p0 (xrf1)  }
0x94: {  	v7 =	vpsel p0, v10, v7  }
0x95: {  	v6 =	vpsel p0, v11, v6;
	vm15 =	vge.f32 v7, v8  }
0x96: {  	v7 =	vmax.f32 v7, v8;
	v6 =	vsel vm15, v6, v9  }
0x97: {  	(xrf1) =	vsort.ascd.msk.f32 $0xffff, v7, v6;
	_ =	sdelay $0x9  }
.Ltmp9:
0x98: {  	_ = 	snop;
	(pc) =	sbr.rel .LBB2_14-.Ltmp9, $2  }
0x99: {  	_ =	sdelay $0x2  }
0x9a: {  	v7, v6, _ =	vpop (xrf1)  }
.LBB2_6:
0x9b: {  	v6 =	vimm.s32 $0x0  }
.LBB2_14:
0x9c: {  	v6 =	vperm.xlane v6, v5;
	_ =	sdelay $0x1  }
0x9d: {  	v6 =	vadd.s32 v1, v6  }
0x9e: {  	[tilespmem:$0x3080] =	vst v6  }
0x9f: {  	_ =	swait.ge [sflag:s15], $0x1000  }
0xa0: {  	[sflag:s15] =	ssyncset.done $0x0  }
0xa1: {  	s25 =	simm.s32 $0x0;
	s26 =	simm.s32 $0x0;
	[sflag:s15] =	ssyncadd.s32 $0xFFFFF000  }
0xa2: {  	[tilespmem:s25], [sflag:$0x1] =	stream.linear.gather [hbm4b:s6+s25], $0x1000, $0x38;
	[tilespmem:$0x3180] =	vst v63  }
0xa3: {  	v6 =	vimm.f32 $-Inf;
	s25 =	simm.s32 $0x40;
	v7 =	vld [tilespmem:s26+$0x1000]  }
.LBB2_15:
0xa4: {  	p0 =	sne.s32 s25, $0x3FC0  }
.Ltmp10:
0xa5: {  	_ = 	snop;
	(pc) =	sbr.rel @p0 .LBB2_15-.Ltmp10, $3  }
0xa6: {  	_ =	sdelay $0x1  }
0xa7: {  	s26 =	sshra.s32 s25, $0x2;
	s25 =	sadd.s32 $0x40, s25;
	v6 =	vmax.f32 v6, v7  }
0xa8: {  	v7 =	vld [tilespmem:s26+$0x1000]  }
0xa9: {  	_ =	sdelay $0x3  }
0xaa: {  	v6 =	vmax.f32 v6, v7  }
0xab: {  	(xrf1) =	vsort.ascd.msk.f32 $0xffff, v6, v0;
	_ =	sdelay $0xa  }
0xac: {  	s25 =	simm.s32 $0x1000  }
0xad: {  	v7 =	vld [tilespmem:s25+$0x0];
	_ =	sdelay $0x1  }
0xae: {  	v6, _, _ =	vpop (xrf1)  }
0xaf: {  	v6 =	vbroadcast v6, $0x8;
	_ =	sdelay $0x1  }
0xb0: {  	vm0 =	vge.f32 v7, v6  }
0xb1: {  	v7 =	vmpcnt.ones.xlane vm0;
	_ =	sdelay $0x1  }
0xb2: {  	(v2sf) =	vpush v7, $0x0;
	_ =	sdelay $0x4  }
0xb3: {  	s26 =	simm.s32 $0x0  }
0xb4: {  	v8 =	vor.u32 s26, v0  }
0xb5: {  	s28 =	simm.s32 $0x1010;
	[tilespmem:s26+$0x2000] =	vst.msk vm0, v8  }
0xb6: {  	s29 =	simm.s32 $0x20;
	s25 =	simm.s32 $0x10;
	v7 =	vld [tilespmem:s28+$0x0]  }
.LBB2_17:
0xb7: {  	p0 =	sne.s32 s29, $0xFF0;
	_ =	sdelay $0x3  }
0xb8: {  	vm0 =	vge.f32 v7, v6  }
0xb9: {  	v7 =	vmpcnt.ones.xlane vm0  }
0xba: {  	s30 =	spop (v2sf)  }
0xbb: {  	v8 =	vor.u32 s25, v0;
	s25 =	smov.u32 s29;
	(v2sf) =	vpush v7, $0x0;
	s26 =	sadd.s32 s26, s30  }
0xbc: {  	[tilespmem:s26+$0x2000] =	vst.msk vm0, v8;
	_ =	sdelay $0x2  }
.Ltmp11:
0xbd: {  	(pc) =	sbr.rel @p0 .LBB2_17-.Ltmp11, $3  }
0xbe: {  	_ =	sdelay $0x1  }
0xbf: {  	s28 =	sadd.s32 $0x10, s28  }
0xc0: {  	s29 =	sadd.s32 $0x10, s29;
	v7 =	vld [tilespmem:s28+$0x0]  }
0xc1: {  	_ =	sdelay $0x3  }
0xc2: {  	vm0 =	vge.f32 v7, v6  }
0xc3: {  	v6 =	vmpcnt.ones.xlane vm0;
	_ =	sdelay $0x1  }
0xc4: {  	(v2sf) =	vpush v6, $0x0;
	_ =	sdelay $0xd  }
0xc5: {  	s28 =	spop (v2sf)  }
0xc6: {  	s29 =	sadd.s32 s26, s28;
	s30 =	spop (v2sf)  }
0xc7: {  	s26 =	sadd.s32 s29, s30  }
0xc8: {  	s28 =	sadd.s32 $0xF, s26  }
0xc9: {  	s30 =	sand.u32 $0xF, s28  }
0xca: {  	s31 =	sshra.s32 s28, $0x1F;
	p1 =	slt.s32 s28, $0x1;
	p0 =	sne.s32 s30, $0x0  }
0xcb: {  	s30 =	sshrl.u32 s31, $0x1C;
	p0 =	por !p1, !p0  }
0xcc: {  	s28 =	sadd.s32 s30, s28;
	s30 =	simm.s32 $0x1;
	p0 =	por !p0, !p0  }
0xcd: {  	s28 =	sshra.s32 s28, $0x4;
	s30 =	simm.s32 @!p0 $0x0  }
0xce: {  	s28 =	ssub.s32 s28, s30  }
0xcf: {  	p0 =	slt.s32 s28, $0x1  }
.Ltmp12:
0xd0: {  	_ = 	snop;
	(pc) =	sbr.rel @p0 .LBB2_19-.Ltmp12, $3  }
0xd1: {  	_ =	sdelay $0x1  }
0xd2: {  	v6 =	vor.u32 s25, v0  }
0xd3: {  	[tilespmem:s29+$0x2000] =	vst.msk vm0, v6  }
0xd4: {  	p2 =	sne.s32 s28, $0x1  }
.Ltmp13:
0xd5: {  	_ = 	snop;
	(pc) =	sbr.rel @!p2 .LBB2_21-.Ltmp13, $3  }
0xd6: {  	_ =	sdelay $0x1  }
0xd7: {  	s29 =	simm.s32 $0x2000;
	s25 =	simm.s32 $0x0  }
0xd8: {  	v8 =	vmov s26;
	v7 =	vimm.f32 $-Inf;
	v6 =	vimm.s32 $0x0;
	s26 =	sadd.s32 $0xFFFFFFFF, s28;
	p0 =	por $0x0, $0x0;
	p1 =	por $0x0, $0x0;
	v9 =	vld [tilespmem:s29+$0x0]  }
0xd9: {  	_ =	sdelay $0x1  }
0xda: {  	v10 =	vor.u32 s25, v0  }
0xdb: {  	vm0 =	vlt.s32 v10, v8  }
0xdc: {  	v10 =	vnsel vm0, $0x0, v9;
	_ =	sdelay $0x4  }
0xdd: {  	v9 =	vld.idx.msk [tilespmem:v10+s14+$0x0], $0xffff  }
0xde: {  	p2 =	sne.s32 s26, $0x1  }
.Ltmp14:
0xdf: {  	_ = 	snop;
	(pc) =	sbr.rel @!p2 .LBB2_23-.Ltmp14, $3  }
0xe0: {  	_ =	sdelay $0x1  }
0xe1: {  	s28 =	simm.s32 $0x2010;
	v11 =	vnsel vm0, $0xFF800000, v9  }
0xe2: {  	s29 =	sadd.s32 $0xFFFFFFFF, s26;
	p0 =	por $0x1, $0x1;
	v9 =	vld [tilespmem:s28+$0x0];
	(xrf1) =	vsort.dscd.msk.f32 $0xffff, v11, v10  }
0xe3: {  	_ = 	snop  }
0xe4: {  	s26 =	simm.s32 $0x10  }
0xe5: {  	v10 =	vor.u32 s26, v0  }
0xe6: {  	vm0 =	vlt.s32 v10, v8  }
0xe7: {  	v9 =	vnsel vm0, $0x0, v9;
	_ =	sdelay $0x4  }
0xe8: {  	v10 =	vld.idx.msk [tilespmem:v9+s14+$0x0], $0xffff;
	_ =	sdelay $0x1  }
0xe9: {  	p2 =	sne.s32 s29, $0x1  }
.Ltmp15:
0xea: {  	_ = 	snop;
	(pc) =	sbr.rel @!p2 .LBB2_26-.Ltmp15, $4  }
0xeb: {  	v11, v12, _ =	vpop (xrf1)  }
0xec: {  	s28 =	simm.s32 $0x2020;
	v10 =	vnsel vm0, $0xFF800000, v10;
	vm15 =	vge.f32 v7, v11  }
0xed: {  	(xrf1) =	vsort.dscd.msk.f32 $0xffff, v10, v9;
	v10 =	vmax.f32 v7, v11;
	v11 =	vsel vm15, v6, v12;
	v9 =	vld [tilespmem:s28+$0x0]  }
0xee: {  	s29 =	sadd.s32 $0xFFFFFFFF, s29;
	p1 =	por $0x1, $0x1;
	(xrf1) =	vsort.ascd.msk.f32 $0xffff, v10, v11  }
.LBB2_25:
0xef: {  	p2 =	sne.s32 s29, $0x1;
	s26 =	sadd.s32 $0x10, s26  }
0xf0: {  	v10 =	vor.u32 s26, v0  }
0xf1: {  	vm0 =	vlt.s32 v10, v8  }
0xf2: {  	v10 =	vnsel vm0, $0x0, v9;
	_ =	sdelay $0x4  }
0xf3: {  	v9 =	vld.idx.msk [tilespmem:v10+s14+$0x0], $0xffff;
	_ =	sdelay $0x3  }
.Ltmp16:
0xf4: {  	v11, v12, _ =	vpop (xrf1);
	(pc) =	sbr.rel @p2 .LBB2_25-.Ltmp16, $4  }
0xf5: {  	v13, v14, _ =	vpop (xrf1)  }
0xf6: {  	s28 =	sadd.s32 $0x10, s28;
	v15 =	vnsel vm0, $0xFF800000, v9;
	vm0 =	vge.f32 v13, v11  }
0xf7: {  	v9 =	vld [tilespmem:s28+$0x0];
	(xrf1) =	vsort.dscd.msk.f32 $0xffff, v15, v10;
	v10 =	vmax.f32 v13, v11;
	v11 =	vsel vm0, v14, v12  }
0xf8: {  	s29 =	sadd.s32 $0xFFFFFFFF, s29;
	(xrf1) =	vsort.ascd.msk.f32 $0xffff, v10, v11  }
.LBB2_26:
0xf9: {  	_ = 	snop  }
0xfa: {  	s26 =	sadd.s32 @p0 $0x10, s26  }
0xfb: {  	s25 =	smov.u32 @p0 s26  }
0xfc: {  	v10 =	vor.u32 s25, v0  }
0xfd: {  	vm0 =	vlt.s32 v10, v8  }
0xfe: {  	v8 =	vnsel vm0, $0x0, v9;
	_ =	sdelay $0x4  }
0xff: {  	v9 =	vld.idx.msk [tilespmem:v8+s14+$0x0], $0xffff;
	_ =	sdelay $0x1  }
0x100: {  	v10, v11, _ =	vpop @p0 (xrf1)  }
0x101: {  	v12, v13, _ =	vpop @p1 (xrf1)  }
0x102: {  	v12 =	vpsel p1, v12, v7  }
0x103: {  	v9 =	vnsel vm0, $0xFF800000, v9;
	v13 =	vpsel p1, v13, v6;
	vm0 =	vge.f32 @p0 v12, v10  }
0x104: {  	(xrf1) =	vsort.dscd.msk.f32 $0xffff, v9, v8;
	v8 =	vmax.f32 @p0 v12, v10;
	v9 =	vsel @p0 vm0, v13, v11  }
0x105: {  	(xrf1) =	vsort.ascd.msk.f32 @p0 $0xffff, v8, v9;
	_ =	sdelay $0xc  }
0x106: {  	v8, v9, _ =	vpop (xrf1)  }
0x107: {  	v10, v11, _ =	vpop @p0 (xrf1)  }
0x108: {  	v7 =	vpsel p0, v10, v7  }
0x109: {  	v6 =	vpsel p0, v11, v6;
	vm15 =	vge.f32 v7, v8  }
0x10a: {  	v7 =	vmax.f32 v7, v8;
	v6 =	vsel vm15, v6, v9  }
0x10b: {  	(xrf1) =	vsort.ascd.msk.f32 $0xffff, v7, v6;
	_ =	sdelay $0x9  }
.Ltmp17:
0x10c: {  	_ = 	snop;
	(pc) =	sbr.rel .LBB2_27-.Ltmp17, $2  }
0x10d: {  	_ =	sdelay $0x2  }
0x10e: {  	v7, v6, _ =	vpop (xrf1)  }
.LBB2_19:
0x10f: {  	v6 =	vimm.s32 $0x0  }
.LBB2_27:
0x110: {  	v6 =	vperm.xlane v6, v5;
	_ =	sdelay $0x1  }
0x111: {  	v6 =	vadd.s32 v2, v6  }
0x112: {  	[tilespmem:$0x3090] =	vst v6  }
0x113: {  	_ =	swait.ge [sflag:s13], $0x1000  }
0x114: {  	[sflag:s13] =	ssyncset.done $0x0  }
0x115: {  	s25 =	simm.s32 $0x0;
	s26 =	simm.s32 $0x0;
	[sflag:s13] =	ssyncadd.s32 $0xFFFFF000  }
0x116: {  	[tilespmem:s14], [sflag:$0x2] =	stream.linear.gather [hbm4b:s7+s25], $0x1000, $0x38;
	[tilespmem:$0x3180] =	vst v63  }
0x117: {  	v6 =	vimm.f32 $-Inf;
	s25 =	simm.s32 $0x40;
	v7 =	vld [tilespmem:s26+$0x0]  }
.LBB2_28:
0x118: {  	p0 =	sne.s32 s25, $0x3FC0  }
.Ltmp18:
0x119: {  	_ = 	snop;
	(pc) =	sbr.rel @p0 .LBB2_28-.Ltmp18, $3  }
0x11a: {  	_ =	sdelay $0x1  }
0x11b: {  	s26 =	sshra.s32 s25, $0x2;
	s25 =	sadd.s32 $0x40, s25;
	v6 =	vmax.f32 v6, v7  }
0x11c: {  	v7 =	vld [tilespmem:s26+$0x0]  }
0x11d: {  	_ =	sdelay $0x3  }
0x11e: {  	v6 =	vmax.f32 v6, v7  }
0x11f: {  	(xrf1) =	vsort.ascd.msk.f32 $0xffff, v6, v0;
	_ =	sdelay $0xa  }
0x120: {  	s26 =	simm.s32 $0x0  }
0x121: {  	v7 =	vld [tilespmem:s26+$0x0];
	_ =	sdelay $0x1  }
0x122: {  	v6, _, _ =	vpop (xrf1)  }
0x123: {  	v6 =	vbroadcast v6, $0x8;
	_ =	sdelay $0x1  }
0x124: {  	vm0 =	vge.f32 v7, v6  }
0x125: {  	v7 =	vmpcnt.ones.xlane vm0;
	_ =	sdelay $0x1  }
0x126: {  	(v2sf) =	vpush v7, $0x0;
	_ =	sdelay $0x5  }
0x127: {  	v8 =	vor.u32 s26, v0  }
0x128: {  	s25 =	simm.s32 $0x10;
	[tilespmem:s26+$0x2000] =	vst.msk vm0, v8  }
0x129: {  	s28 =	simm.s32 $0x20;
	s29 =	simm.s32 $0x10;
	v7 =	vld [tilespmem:s25+$0x0]  }
.LBB2_30:
0x12a: {  	p0 =	sne.s32 s28, $0xFF0;
	_ =	sdelay $0x3  }
0x12b: {  	vm0 =	vge.f32 v7, v6  }
0x12c: {  	v7 =	vmpcnt.ones.xlane vm0  }
0x12d: {  	s30 =	spop (v2sf)  }
0x12e: {  	v8 =	vor.u32 s25, v0;
	s25 =	smov.u32 s28;
	(v2sf) =	vpush v7, $0x0;
	s26 =	sadd.s32 s26, s30  }
0x12f: {  	[tilespmem:s26+$0x2000] =	vst.msk vm0, v8;
	_ =	sdelay $0x2  }
.Ltmp19:
0x130: {  	(pc) =	sbr.rel @p0 .LBB2_30-.Ltmp19, $3  }
0x131: {  	_ =	sdelay $0x1  }
0x132: {  	s29 =	sadd.s32 $0x10, s29  }
0x133: {  	s28 =	sadd.s32 $0x10, s28;
	v7 =	vld [tilespmem:s29+$0x0]  }
0x134: {  	_ =	sdelay $0x3  }
0x135: {  	vm0 =	vge.f32 v7, v6  }
0x136: {  	v6 =	vmpcnt.ones.xlane vm0;
	_ =	sdelay $0x1  }
0x137: {  	(v2sf) =	vpush v6, $0x0;
	_ =	sdelay $0xd  }
0x138: {  	s28 =	spop (v2sf)  }
0x139: {  	s29 =	sadd.s32 s26, s28;
	s30 =	spop (v2sf)  }
0x13a: {  	s26 =	sadd.s32 s29, s30  }
0x13b: {  	s28 =	sadd.s32 $0xF, s26  }
0x13c: {  	s30 =	sand.u32 $0xF, s28  }
0x13d: {  	s31 =	sshra.s32 s28, $0x1F;
	p1 =	slt.s32 s28, $0x1;
	p0 =	sne.s32 s30, $0x0  }
0x13e: {  	s30 =	sshrl.u32 s31, $0x1C;
	p0 =	por !p1, !p0  }
0x13f: {  	s28 =	sadd.s32 s30, s28;
	s30 =	simm.s32 $0x1;
	p0 =	por !p0, !p0  }
0x140: {  	s28 =	sshra.s32 s28, $0x4;
	s30 =	simm.s32 @!p0 $0x0  }
0x141: {  	s28 =	ssub.s32 s28, s30  }
0x142: {  	p0 =	slt.s32 s28, $0x1  }
.Ltmp20:
0x143: {  	_ = 	snop;
	(pc) =	sbr.rel @p0 .LBB2_32-.Ltmp20, $3  }
0x144: {  	_ =	sdelay $0x1  }
0x145: {  	v6 =	vor.u32 s25, v0  }
0x146: {  	[tilespmem:s29+$0x2000] =	vst.msk vm0, v6  }
0x147: {  	p2 =	sne.s32 s28, $0x1  }
.Ltmp21:
0x148: {  	_ = 	snop;
	(pc) =	sbr.rel @!p2 .LBB2_34-.Ltmp21, $3  }
0x149: {  	_ =	sdelay $0x1  }
0x14a: {  	s29 =	simm.s32 $0x2000;
	s25 =	simm.s32 $0x0  }
0x14b: {  	v8 =	vmov s26;
	v7 =	vimm.f32 $-Inf;
	v6 =	vimm.s32 $0x0;
	s26 =	sadd.s32 $0xFFFFFFFF, s28;
	p0 =	por $0x0, $0x0;
	p1 =	por $0x0, $0x0;
	v9 =	vld [tilespmem:s29+$0x0]  }
0x14c: {  	_ =	sdelay $0x1  }
0x14d: {  	v10 =	vor.u32 s25, v0  }
0x14e: {  	vm0 =	vlt.s32 v10, v8  }
0x14f: {  	v10 =	vnsel vm0, $0x0, v9;
	_ =	sdelay $0x4  }
0x150: {  	v9 =	vld.idx.msk [tilespmem:v10+s2+$0x0], $0xffff  }
0x151: {  	p2 =	sne.s32 s26, $0x1  }
.Ltmp22:
0x152: {  	_ = 	snop;
	(pc) =	sbr.rel @!p2 .LBB2_36-.Ltmp22, $3  }
0x153: {  	_ =	sdelay $0x1  }
0x154: {  	s28 =	simm.s32 $0x2010;
	v11 =	vnsel vm0, $0xFF800000, v9  }
0x155: {  	s29 =	sadd.s32 $0xFFFFFFFF, s26;
	p0 =	por $0x1, $0x1;
	v9 =	vld [tilespmem:s28+$0x0];
	(xrf1) =	vsort.dscd.msk.f32 $0xffff, v11, v10  }
0x156: {  	_ = 	snop  }
0x157: {  	s26 =	simm.s32 $0x10  }
0x158: {  	v10 =	vor.u32 s26, v0  }
0x159: {  	vm0 =	vlt.s32 v10, v8  }
0x15a: {  	v9 =	vnsel vm0, $0x0, v9;
	_ =	sdelay $0x4  }
0x15b: {  	v10 =	vld.idx.msk [tilespmem:v9+s2+$0x0], $0xffff;
	_ =	sdelay $0x1  }
0x15c: {  	p2 =	sne.s32 s29, $0x1  }
.Ltmp23:
0x15d: {  	_ = 	snop;
	(pc) =	sbr.rel @!p2 .LBB2_39-.Ltmp23, $4  }
0x15e: {  	v11, v12, _ =	vpop (xrf1)  }
0x15f: {  	s28 =	simm.s32 $0x2020;
	v10 =	vnsel vm0, $0xFF800000, v10;
	vm15 =	vge.f32 v7, v11  }
0x160: {  	(xrf1) =	vsort.dscd.msk.f32 $0xffff, v10, v9;
	v10 =	vmax.f32 v7, v11;
	v11 =	vsel vm15, v6, v12;
	v9 =	vld [tilespmem:s28+$0x0]  }
0x161: {  	s29 =	sadd.s32 $0xFFFFFFFF, s29;
	p1 =	por $0x1, $0x1;
	(xrf1) =	vsort.ascd.msk.f32 $0xffff, v10, v11  }
.LBB2_38:
0x162: {  	p2 =	sne.s32 s29, $0x1;
	s26 =	sadd.s32 $0x10, s26  }
0x163: {  	v10 =	vor.u32 s26, v0  }
0x164: {  	vm0 =	vlt.s32 v10, v8  }
0x165: {  	v10 =	vnsel vm0, $0x0, v9;
	_ =	sdelay $0x4  }
0x166: {  	v9 =	vld.idx.msk [tilespmem:v10+s2+$0x0], $0xffff;
	_ =	sdelay $0x3  }
.Ltmp24:
0x167: {  	v11, v12, _ =	vpop (xrf1);
	(pc) =	sbr.rel @p2 .LBB2_38-.Ltmp24, $4  }
0x168: {  	v13, v14, _ =	vpop (xrf1)  }
0x169: {  	s28 =	sadd.s32 $0x10, s28;
	v15 =	vnsel vm0, $0xFF800000, v9;
	vm0 =	vge.f32 v13, v11  }
0x16a: {  	v9 =	vld [tilespmem:s28+$0x0];
	(xrf1) =	vsort.dscd.msk.f32 $0xffff, v15, v10;
	v10 =	vmax.f32 v13, v11;
	v11 =	vsel vm0, v14, v12  }
0x16b: {  	s29 =	sadd.s32 $0xFFFFFFFF, s29;
	(xrf1) =	vsort.ascd.msk.f32 $0xffff, v10, v11  }
.LBB2_39:
0x16c: {  	_ = 	snop  }
0x16d: {  	s26 =	sadd.s32 @p0 $0x10, s26  }
0x16e: {  	s25 =	smov.u32 @p0 s26  }
0x16f: {  	v10 =	vor.u32 s25, v0  }
0x170: {  	vm0 =	vlt.s32 v10, v8  }
0x171: {  	v8 =	vnsel vm0, $0x0, v9;
	_ =	sdelay $0x4  }
0x172: {  	v9 =	vld.idx.msk [tilespmem:v8+s2+$0x0], $0xffff;
	_ =	sdelay $0x1  }
0x173: {  	v10, v11, _ =	vpop @p0 (xrf1)  }
0x174: {  	v12, v13, _ =	vpop @p1 (xrf1)  }
0x175: {  	v12 =	vpsel p1, v12, v7  }
0x176: {  	v9 =	vnsel vm0, $0xFF800000, v9;
	v13 =	vpsel p1, v13, v6;
	vm0 =	vge.f32 @p0 v12, v10  }
0x177: {  	(xrf1) =	vsort.dscd.msk.f32 $0xffff, v9, v8;
	v8 =	vmax.f32 @p0 v12, v10;
	v9 =	vsel @p0 vm0, v13, v11  }
0x178: {  	(xrf1) =	vsort.ascd.msk.f32 @p0 $0xffff, v8, v9;
	_ =	sdelay $0xc  }
0x179: {  	v8, v9, _ =	vpop (xrf1)  }
0x17a: {  	v10, v11, _ =	vpop @p0 (xrf1)  }
0x17b: {  	v7 =	vpsel p0, v10, v7  }
0x17c: {  	v6 =	vpsel p0, v11, v6;
	vm15 =	vge.f32 v7, v8  }
0x17d: {  	v7 =	vmax.f32 v7, v8;
	v6 =	vsel vm15, v6, v9  }
0x17e: {  	(xrf1) =	vsort.ascd.msk.f32 $0xffff, v7, v6;
	_ =	sdelay $0x9  }
.Ltmp25:
0x17f: {  	_ = 	snop;
	(pc) =	sbr.rel .LBB2_40-.Ltmp25, $2  }
0x180: {  	_ =	sdelay $0x2  }
0x181: {  	v7, v6, _ =	vpop (xrf1)  }
.LBB2_32:
0x182: {  	v6 =	vimm.s32 $0x0  }
.LBB2_40:
0x183: {  	v6 =	vperm.xlane v6, v5;
	_ =	sdelay $0x1  }
0x184: {  	v6 =	vadd.s32 v3, v6  }
0x185: {  	[tilespmem:$0x30A0] =	vst v6  }
0x186: {  	_ =	swait.ge [sflag:s15], $0x1000  }
0x187: {  	[sflag:s15] =	ssyncset.done $0x0  }
0x188: {  	s26 =	simm.s32 $0x0;
	[sflag:s15] =	ssyncadd.s32 $0xFFFFF000  }
0x189: {  	s25 =	simm.s32 $0x40;
	v6 =	vimm.f32 $-Inf;
	v7 =	vld [tilespmem:s26+$0x1000]  }
.LBB2_41:
0x18a: {  	p0 =	sne.s32 s25, $0x3FC0  }
.Ltmp26:
0x18b: {  	_ = 	snop;
	(pc) =	sbr.rel @p0 .LBB2_41-.Ltmp26, $3  }
0x18c: {  	_ =	sdelay $0x1  }
0x18d: {  	s26 =	sshra.s32 s25, $0x2;
	s25 =	sadd.s32 $0x40, s25;
	v6 =	vmax.f32 v6, v7  }
0x18e: {  	v7 =	vld [tilespmem:s26+$0x1000]  }
0x18f: {  	_ =	sdelay $0x3  }
0x190: {  	v6 =	vmax.f32 v6, v7  }
0x191: {  	(xrf1) =	vsort.ascd.msk.f32 $0xffff, v6, v0;
	_ =	sdelay $0xa  }
0x192: {  	s25 =	simm.s32 $0x1000  }
0x193: {  	v7 =	vld [tilespmem:s25+$0x0];
	_ =	sdelay $0x1  }
0x194: {  	v6, _, _ =	vpop (xrf1)  }
0x195: {  	v6 =	vbroadcast v6, $0x8;
	_ =	sdelay $0x1  }
0x196: {  	vm0 =	vge.f32 v7, v6  }
0x197: {  	v7 =	vmpcnt.ones.xlane vm0;
	_ =	sdelay $0x1  }
0x198: {  	(v2sf) =	vpush v7, $0x0;
	_ =	sdelay $0x4  }
0x199: {  	s26 =	simm.s32 $0x0  }
0x19a: {  	v8 =	vor.u32 s26, v0  }
0x19b: {  	s28 =	simm.s32 $0x1010;
	[tilespmem:s26+$0x2000] =	vst.msk vm0, v8  }
0x19c: {  	s29 =	simm.s32 $0x20;
	s25 =	simm.s32 $0x10;
	v7 =	vld [tilespmem:s28+$0x0]  }
.LBB2_43:
0x19d: {  	p0 =	sne.s32 s29, $0xFF0;
	_ =	sdelay $0x3  }
0x19e: {  	vm0 =	vge.f32 v7, v6  }
0x19f: {  	v7 =	vmpcnt.ones.xlane vm0  }
0x1a0: {  	s30 =	spop (v2sf)  }
0x1a1: {  	v8 =	vor.u32 s25, v0;
	s25 =	smov.u32 s29;
	(v2sf) =	vpush v7, $0x0;
	s26 =	sadd.s32 s26, s30  }
0x1a2: {  	[tilespmem:s26+$0x2000] =	vst.msk vm0, v8;
	_ =	sdelay $0x2  }
.Ltmp27:
0x1a3: {  	(pc) =	sbr.rel @p0 .LBB2_43-.Ltmp27, $3  }
0x1a4: {  	_ =	sdelay $0x1  }
0x1a5: {  	s28 =	sadd.s32 $0x10, s28  }
0x1a6: {  	s29 =	sadd.s32 $0x10, s29;
	v7 =	vld [tilespmem:s28+$0x0]  }
0x1a7: {  	_ =	sdelay $0x3  }
0x1a8: {  	vm0 =	vge.f32 v7, v6  }
0x1a9: {  	v6 =	vmpcnt.ones.xlane vm0;
	_ =	sdelay $0x1  }
0x1aa: {  	(v2sf) =	vpush v6, $0x0;
	_ =	sdelay $0xd  }
0x1ab: {  	s28 =	spop (v2sf)  }
0x1ac: {  	s29 =	sadd.s32 s26, s28;
	s30 =	spop (v2sf)  }
0x1ad: {  	s26 =	sadd.s32 s29, s30  }
0x1ae: {  	s28 =	sadd.s32 $0xF, s26  }
0x1af: {  	s30 =	sand.u32 $0xF, s28  }
0x1b0: {  	s31 =	sshra.s32 s28, $0x1F;
	p1 =	slt.s32 s28, $0x1;
	p0 =	sne.s32 s30, $0x0  }
0x1b1: {  	s30 =	sshrl.u32 s31, $0x1C;
	p0 =	por !p1, !p0  }
0x1b2: {  	s28 =	sadd.s32 s30, s28;
	s30 =	simm.s32 $0x1;
	p0 =	por !p0, !p0  }
0x1b3: {  	s28 =	sshra.s32 s28, $0x4;
	s30 =	simm.s32 @!p0 $0x0  }
0x1b4: {  	s28 =	ssub.s32 s28, s30  }
0x1b5: {  	p0 =	slt.s32 s28, $0x1  }
.Ltmp28:
0x1b6: {  	_ = 	snop;
	(pc) =	sbr.rel @p0 .LBB2_45-.Ltmp28, $3  }
0x1b7: {  	_ =	sdelay $0x1  }
0x1b8: {  	v6 =	vor.u32 s25, v0  }
0x1b9: {  	[tilespmem:s29+$0x2000] =	vst.msk vm0, v6  }
0x1ba: {  	p2 =	sne.s32 s28, $0x1  }
.Ltmp29:
0x1bb: {  	_ = 	snop;
	(pc) =	sbr.rel @!p2 .LBB2_47-.Ltmp29, $3  }
0x1bc: {  	_ =	sdelay $0x1  }
0x1bd: {  	s29 =	simm.s32 $0x2000;
	s25 =	simm.s32 $0x0  }
0x1be: {  	v8 =	vmov s26;
	v7 =	vimm.f32 $-Inf;
	v6 =	vimm.s32 $0x0;
	s26 =	sadd.s32 $0xFFFFFFFF, s28;
	p0 =	por $0x0, $0x0;
	p1 =	por $0x0, $0x0;
	v9 =	vld [tilespmem:s29+$0x0]  }
0x1bf: {  	_ =	sdelay $0x1  }
0x1c0: {  	v10 =	vor.u32 s25, v0  }
0x1c1: {  	vm0 =	vlt.s32 v10, v8  }
0x1c2: {  	v10 =	vnsel vm0, $0x0, v9;
	_ =	sdelay $0x4  }
0x1c3: {  	v9 =	vld.idx.msk [tilespmem:v10+s14+$0x0], $0xffff  }
0x1c4: {  	p2 =	sne.s32 s26, $0x1  }
.Ltmp30:
0x1c5: {  	_ = 	snop;
	(pc) =	sbr.rel @!p2 .LBB2_49-.Ltmp30, $3  }
0x1c6: {  	_ =	sdelay $0x1  }
0x1c7: {  	s28 =	simm.s32 $0x2010;
	v11 =	vnsel vm0, $0xFF800000, v9  }
0x1c8: {  	s29 =	sadd.s32 $0xFFFFFFFF, s26;
	p0 =	por $0x1, $0x1;
	v9 =	vld [tilespmem:s28+$0x0];
	(xrf1) =	vsort.dscd.msk.f32 $0xffff, v11, v10  }
0x1c9: {  	_ = 	snop  }
0x1ca: {  	s26 =	simm.s32 $0x10  }
0x1cb: {  	v10 =	vor.u32 s26, v0  }
0x1cc: {  	vm0 =	vlt.s32 v10, v8  }
0x1cd: {  	v9 =	vnsel vm0, $0x0, v9;
	_ =	sdelay $0x4  }
0x1ce: {  	v10 =	vld.idx.msk [tilespmem:v9+s14+$0x0], $0xffff;
	_ =	sdelay $0x1  }
0x1cf: {  	p2 =	sne.s32 s29, $0x1  }
.Ltmp31:
0x1d0: {  	_ = 	snop;
	(pc) =	sbr.rel @!p2 .LBB2_52-.Ltmp31, $4  }
0x1d1: {  	v11, v12, _ =	vpop (xrf1)  }
0x1d2: {  	s28 =	simm.s32 $0x2020;
	v10 =	vnsel vm0, $0xFF800000, v10;
	vm15 =	vge.f32 v7, v11  }
0x1d3: {  	(xrf1) =	vsort.dscd.msk.f32 $0xffff, v10, v9;
	v10 =	vmax.f32 v7, v11;
	v11 =	vsel vm15, v6, v12;
	v9 =	vld [tilespmem:s28+$0x0]  }
0x1d4: {  	s29 =	sadd.s32 $0xFFFFFFFF, s29;
	p1 =	por $0x1, $0x1;
	(xrf1) =	vsort.ascd.msk.f32 $0xffff, v10, v11  }
.LBB2_51:
0x1d5: {  	p2 =	sne.s32 s29, $0x1;
	s26 =	sadd.s32 $0x10, s26  }
0x1d6: {  	v10 =	vor.u32 s26, v0  }
0x1d7: {  	vm0 =	vlt.s32 v10, v8  }
0x1d8: {  	v10 =	vnsel vm0, $0x0, v9;
	_ =	sdelay $0x4  }
0x1d9: {  	v9 =	vld.idx.msk [tilespmem:v10+s14+$0x0], $0xffff;
	_ =	sdelay $0x3  }
.Ltmp32:
0x1da: {  	v11, v12, _ =	vpop (xrf1);
	(pc) =	sbr.rel @p2 .LBB2_51-.Ltmp32, $4  }
0x1db: {  	v13, v14, _ =	vpop (xrf1)  }
0x1dc: {  	s28 =	sadd.s32 $0x10, s28;
	v15 =	vnsel vm0, $0xFF800000, v9;
	vm0 =	vge.f32 v13, v11  }
0x1dd: {  	v9 =	vld [tilespmem:s28+$0x0];
	(xrf1) =	vsort.dscd.msk.f32 $0xffff, v15, v10;
	v10 =	vmax.f32 v13, v11;
	v11 =	vsel vm0, v14, v12  }
0x1de: {  	s29 =	sadd.s32 $0xFFFFFFFF, s29;
	(xrf1) =	vsort.ascd.msk.f32 $0xffff, v10, v11  }
.LBB2_52:
0x1df: {  	_ = 	snop  }
0x1e0: {  	s26 =	sadd.s32 @p0 $0x10, s26  }
0x1e1: {  	s25 =	smov.u32 @p0 s26  }
0x1e2: {  	v10 =	vor.u32 s25, v0  }
0x1e3: {  	vm0 =	vlt.s32 v10, v8  }
0x1e4: {  	v8 =	vnsel vm0, $0x0, v9;
	_ =	sdelay $0x4  }
0x1e5: {  	v9 =	vld.idx.msk [tilespmem:v8+s14+$0x0], $0xffff;
	_ =	sdelay $0x1  }
0x1e6: {  	v10, v11, _ =	vpop @p0 (xrf1)  }
0x1e7: {  	v12, v13, _ =	vpop @p1 (xrf1)  }
0x1e8: {  	v12 =	vpsel p1, v12, v7  }
0x1e9: {  	v9 =	vnsel vm0, $0xFF800000, v9;
	v13 =	vpsel p1, v13, v6;
	vm0 =	vge.f32 @p0 v12, v10  }
0x1ea: {  	(xrf1) =	vsort.dscd.msk.f32 $0xffff, v9, v8;
	v8 =	vmax.f32 @p0 v12, v10;
	v9 =	vsel @p0 vm0, v13, v11  }
0x1eb: {  	(xrf1) =	vsort.ascd.msk.f32 @p0 $0xffff, v8, v9;
	_ =	sdelay $0xc  }
0x1ec: {  	v8, v9, _ =	vpop (xrf1)  }
0x1ed: {  	v10, v11, _ =	vpop @p0 (xrf1)  }
0x1ee: {  	v7 =	vpsel p0, v10, v7  }
0x1ef: {  	v6 =	vpsel p0, v11, v6;
	vm15 =	vge.f32 v7, v8  }
0x1f0: {  	v7 =	vmax.f32 v7, v8;
	v6 =	vsel vm15, v6, v9  }
0x1f1: {  	(xrf1) =	vsort.ascd.msk.f32 $0xffff, v7, v6;
	_ =	sdelay $0x9  }
.Ltmp33:
0x1f2: {  	_ = 	snop;
	(pc) =	sbr.rel .LBB2_53-.Ltmp33, $2  }
0x1f3: {  	_ =	sdelay $0x2  }
0x1f4: {  	v7, v6, _ =	vpop (xrf1)  }
.LBB2_8:
.Ltmp34:
0x1f5: {  	(pc) =	sbr.rel .LBB2_13-.Ltmp34, $2  }
0x1f6: {  	_ =	sdelay $0x2  }
0x1f7: {  	s26 =	simm.s32 $0x0  }
.LBB2_21:
.Ltmp35:
0x1f8: {  	(pc) =	sbr.rel .LBB2_26-.Ltmp35, $2  }
0x1f9: {  	_ =	sdelay $0x2  }
0x1fa: {  	s26 =	simm.s32 $0x0  }
.LBB2_34:
.Ltmp36:
0x1fb: {  	(pc) =	sbr.rel .LBB2_39-.Ltmp36, $2  }
0x1fc: {  	_ =	sdelay $0x2  }
0x1fd: {  	s26 =	simm.s32 $0x0  }
.LBB2_47:
.Ltmp37:
0x1fe: {  	(pc) =	sbr.rel .LBB2_52-.Ltmp37, $2  }
0x1ff: {  	_ =	sdelay $0x2  }
0x200: {  	s26 =	simm.s32 $0x0  }
.LBB2_10:
.Ltmp38:
0x201: {  	(pc) =	sbr.rel .LBB2_13-.Ltmp38, $2  }
0x202: {  	_ =	sdelay $0x2  }
0x203: {  	s26 =	simm.s32 $0x0  }
.LBB2_23:
.Ltmp39:
0x204: {  	(pc) =	sbr.rel .LBB2_26-.Ltmp39, $2  }
0x205: {  	_ =	sdelay $0x2  }
0x206: {  	s26 =	simm.s32 $0x0  }
.LBB2_36:
.Ltmp40:
0x207: {  	(pc) =	sbr.rel .LBB2_39-.Ltmp40, $2  }
0x208: {  	_ =	sdelay $0x2  }
0x209: {  	s26 =	simm.s32 $0x0  }
.LBB2_49:
.Ltmp41:
0x20a: {  	(pc) =	sbr.rel .LBB2_52-.Ltmp41, $2  }
0x20b: {  	_ =	sdelay $0x2  }
0x20c: {  	s26 =	simm.s32 $0x0  }
.LBB2_54:
0x20d: {  	_ =	sfence.sel $0x180000  }
0x20e: {  	[bflag:$0x0] =	sbarrier.arrive $0xFFFF  }
0x20f: {  	p0 =	sne.s32 s1, $0x0;
	_ =	strace $0x90000047  }
0x210: {  	s0 =	sadd.s32 @!p0 $0x100000, s0;
	[bflag:$0x2] =	sbarrier.arrive $0xFFFF  }
0x211: {  	[sflag:s0] =	ssyncadd.tile.s32 @!p0 $0x1;
	_ =	shalt  }
.Lfunc_end2:
_tile_overlayer_lowered:
.L_overlay_start_2:
0x212: {  	(tag) =	ssettag $0x2  }
0x213: {  	s0 =	rddreg [dreg:$0x0];
	s2 =	stileid.u32  }
0x214: {  	s1 =	rddreg [dreg:$0x1];
	p0 =	sne.s32 s2, $0x0  }
0x215: {  	s3 =	rddreg [dreg:$0x2];
	[bflag:$0x3] =	sbarrier.arrive $0xFFFF;
	s2 =	simm.s32 @!p0 $0x1C04  }
0x216: {  	[timem:s3], [sflag:s2] =	dma.local @!p0 [hbm:s0], s1  }
0x217: {  	s0 =	simm.s32 @!p0 $0x4  }
0x218: {  	_ =	swait.ge @!p0 [sflag:s0], s1  }
0x219: {  	s1 =	ssub.s32 @!p0 $0x0, s1;
	[sflag:s0] =	ssyncset.done @!p0 $0x0  }
0x21a: {  	[sflag:s0] =	ssyncadd.s32 @!p0 s1  }
0x21b: {  	[bflag:$0x3] =	sbarrier.arrive $0xFFFF  }
0x21c: {  	_ =	shalt  }

</sc_bundles>
